<compile_context>
chip_gen: v7x
topology: tpu7x:2x2x1
jax: 0.10.2.dev20260603
libtpu: 0.0.44.dev20260713+nightly
codegen_flags: <defaults>
</compile_context>

<pallas_src>
import jax
import jax.numpy as jnp
from jax import lax
from jax.experimental import pallas as pl
from jax.experimental.pallas import tpu as pltpu
from jax.experimental.pallas import tpu_sc as plsc

N = 10000
D = 128
E = 320000
GPAD = 128

NC = 2
NS = 16
NW = NC * NS
CHUNK = 128
CHT = 160
CH0 = 120
CH1 = CHT - CH0
SCHUNK = 40
SPAIR = SCHUNK // 2
TCH = CHT * NS
EPAD = TCH * CHUNK
RP = 10240
RT = RP // NS
RCH = RT // CHUNK

BLK = 1000
GRID = N // BLK


def _sc_agg_body(node_hbm, idx_hbm, out_hbm,
                 idx_v, rows0_v, rows1_v, acc_sh, sem0, sem1):
    c = lax.axis_index("c")
    s = lax.axis_index("s")

    def _zrow(r, carry):
        for k in range(8):
            rows0_v[r, pl.ds(k * 16, 16)] = jnp.zeros((16,), jnp.float32)
        return carry
    lax.fori_loop(0, CHUNK, _zrow, 0)
    for k in range(RCH):
        pltpu.sync_copy(rows0_v, acc_sh.at[pl.ds(s * RT + k * CHUNK, CHUNK)])
    plsc.subcore_barrier()

    base = s * CHT + jnp.where(c == 0, 0, CH0)
    nst = jnp.where(c == 0, CH0 // SCHUNK, CH1 // SCHUNK)

    def _stage(st, carry):
        cb = base + st * SCHUNK
        pltpu.sync_copy(idx_hbm.at[pl.ds(cb, SCHUNK)], idx_v)
        pltpu.async_copy(node_hbm.at[idx_v.at[0, 0]], rows0_v, sem0)

        def _pair(jj, carry2):
            j0 = 2 * jj
            pltpu.async_copy(node_hbm.at[idx_v.at[j0 + 1, 0]], rows1_v, sem1)
            pltpu.make_async_copy(node_hbm.at[idx_v.at[j0, 0]], rows0_v,
                                  sem0).wait()
            pltpu.sync_copy(rows0_v, acc_sh.at[idx_v.at[j0, 1]], add=True)

            @pl.when(jj + 1 < SPAIR)
            def _pref():
                pltpu.async_copy(node_hbm.at[idx_v.at[j0 + 2, 0]], rows0_v,
                                 sem0)

            pltpu.make_async_copy(node_hbm.at[idx_v.at[j0 + 1, 0]], rows1_v,
                                  sem1).wait()
            pltpu.sync_copy(rows1_v, acc_sh.at[idx_v.at[j0 + 1, 1]], add=True)
            return carry2
        lax.fori_loop(0, SPAIR, _pair, 0)
        return carry
    lax.fori_loop(0, nst, _stage, 0)
    plsc.subcore_barrier()

    pltpu.sync_copy(acc_sh.at[pl.ds(s * RT, RT)],
                    out_hbm.at[c, pl.ds(s * RT, RT)])


def _sc_aggregate(node, idx2):
    mesh = plsc.VectorSubcoreMesh(core_axis_name="c", subcore_axis_name="s",
                                  num_cores=NC)
    f = pl.kernel(
        _sc_agg_body,
        mesh=mesh,
        out_type=jax.ShapeDtypeStruct((NC, RP, D), jnp.float32),
        scratch_types=[
            pltpu.VMEM((SCHUNK, 2, CHUNK), jnp.int32),
            pltpu.VMEM((CHUNK, D), jnp.float32),
            pltpu.VMEM((CHUNK, D), jnp.float32),
            pltpu.VMEM_SHARED((RP, D), jnp.float32),
            pltpu.SemaphoreType.DMA,
            pltpu.SemaphoreType.DMA,
        ],
    )
    return f(node, idx2)


def _ln(h, g, b):
    mu = jnp.mean(h, axis=-1, keepdims=True)
    d = h - mu
    var = jnp.mean(d * d, axis=-1, keepdims=True)
    return d * lax.rsqrt(var + 1e-5) * g + b


def _onehot(bp_ref):
    bp = bp_ref[0, 0]
    iot = lax.broadcasted_iota(jnp.int32, (BLK, GPAD), 1)
    return (bp[:, None] == iot).astype(jnp.float32)


def _fused_body(node_ref, a0_ref, a1_ref, bp_ref, epsv_ref,
                W1_ref, b1_ref, g1_ref, be1_ref,
                W2_ref, b2_ref, g2_ref, be2_ref,
                W3_ref, b3_ref, gnw_ref, gnb_ref, gms_ref,
                out_ref, h3_s, ssum_s, ssq_s, cmat_s):
    i = pl.program_id(0)
    blk = lax.rem(i, GRID)
    oh = _onehot(bp_ref)

    @pl.when(i == 0)
    def _init():
        ssum_s[...] = jnp.zeros_like(ssum_s)
        ssq_s[...] = jnp.zeros_like(ssq_s)
        cmat_s[...] = jnp.zeros_like(cmat_s)

    @pl.when(i < GRID)
    def _phase0():
        x = epsv_ref[...] * node_ref[...] + a0_ref[0] + a1_ref[0]
        h = jax.nn.relu(_ln(jnp.dot(x, W1_ref[...],
                                    preferred_element_type=jnp.float32)
                            + b1_ref[...], g1_ref[...], be1_ref[...]))
        h = jax.nn.relu(_ln(jnp.dot(h, W2_ref[...],
                                    preferred_element_type=jnp.float32)
                            + b2_ref[...], g2_ref[...], be2_ref[...]))
        h3 = jnp.dot(h, W3_ref[...], preferred_element_type=jnp.float32) \
            + b3_ref[...]
        h3_s[pl.ds(blk * BLK, BLK), :] = h3
        dn = (((0,), (0,)), ((), ()))
        ssum_s[...] += lax.dot_general(oh, h3, dn,
                                       preferred_element_type=jnp.float32)
        ssq_s[...] += lax.dot_general(oh, h3 * h3, dn,
                                      preferred_element_type=jnp.float32)
        cmat_s[...] += lax.dot_general(oh, jnp.ones((BLK, D), jnp.float32),
                                       dn, preferred_element_type=jnp.float32)

    @pl.when(i >= GRID)
    def _phase1():
        inv = 1.0 / jnp.maximum(cmat_s[...], 1.0)
        mean = ssum_s[...] * inv
        msq = ssq_s[...] * inv
        s = gms_ref[...]
        A = s * mean
        var = msq - (2.0 * s - s * s) * (mean * mean)
        Binv = lax.rsqrt(var + 1e-5)
        rowA = jnp.dot(oh, A, preferred_element_type=jnp.float32)
        rowB = jnp.dot(oh, Binv, preferred_element_type=jnp.float32)
        h3 = h3_s[pl.ds(blk * BLK, BLK), :]
        out_ref[...] = jax.nn.relu(
            gnw_ref[...] * (h3 - rowA) * rowB + gnb_ref[...])


def _full_spec(shape):
    nd = len(shape)
    return pl.BlockSpec(shape, lambda i: (0,) * nd)


def kernel(node, edge_index, edge_attr, batch_ptr, eps,
           W1, b1, g1, be1, W2, b2, g2, be2, W3, b3,
           gn_weight, gn_bias, gn_mean_scale):
    del edge_attr
    src = edge_index[0].astype(jnp.int32)
    dst = edge_index[1].astype(jnp.int32)
    npad = EPAD - E
    src_p = jnp.concatenate([src, jnp.zeros((npad,), jnp.int32)])
    dst_p = jnp.concatenate([dst, jnp.full((npad,), N, jnp.int32)])
    idx2 = jnp.stack([src_p.reshape(TCH, CHUNK),
                      dst_p.reshape(TCH, CHUNK)], axis=1)

    agg2 = _sc_aggregate(node, idx2)

    bp3 = batch_ptr.astype(jnp.int32).reshape(GRID, 1, BLK)
    epsv = jnp.full((1, D), 1.0 + eps, jnp.float32)
    r = lambda v: v.reshape(1, D)

    lastb = lambda i: jnp.minimum(i, GRID - 1)
    out = pl.pallas_call(
        _fused_body,
        grid=(2 * GRID,),
        in_specs=[
            pl.BlockSpec((BLK, D), lambda i: (lastb(i), 0)),
            pl.BlockSpec((1, BLK, D), lambda i: (0, lastb(i), 0)),
            pl.BlockSpec((1, BLK, D), lambda i: (1, lastb(i), 0)),
            pl.BlockSpec((1, 1, BLK), lambda i: (lax.rem(i, GRID), 0, 0)),
            _full_spec((1, D)),
            _full_spec((D, D)), _full_spec((1, D)), _full_spec((1, D)),
            _full_spec((1, D)),
            _full_spec((D, D)), _full_spec((1, D)), _full_spec((1, D)),
            _full_spec((1, D)),
            _full_spec((D, D)), _full_spec((1, D)),
            _full_spec((1, D)), _full_spec((1, D)), _full_spec((1, D)),
        ],
        out_specs=pl.BlockSpec((BLK, D),
                               lambda i: (jnp.maximum(i - GRID, 0), 0)),
        out_shape=jax.ShapeDtypeStruct((N, D), jnp.float32),
        scratch_shapes=[
            pltpu.VMEM((N, D), jnp.float32),
            pltpu.VMEM((GPAD, D), jnp.float32),
            pltpu.VMEM((GPAD, D), jnp.float32),
            pltpu.VMEM((GPAD, D), jnp.float32),
        ],
    )(node, agg2, agg2, bp3, epsv,
      W1, r(b1), r(g1), r(be1), W2, r(b2), r(g2), r(be2), W3, r(b3),
      r(gn_weight), r(gn_bias), r(gn_mean_scale))

    return out

# --- scband reference (transcript-rebuilt; emitter-appended) ---
"""Pipeline reference for scband-ginconv-layer-72688026518088 (READ-ONLY COPY).

The authoritative reference and input builder live on the scoring server;
editing this copy changes nothing except your own understanding.
"""

import jax, jax.numpy as jnp
import numpy as np

N = 10000
E = 320000
D = 128
G = 64


def setup_inputs(seed: int = 0):
    key = jax.random.key(seed)
    ks = jax.random.split(key, 8)
    node = jax.random.normal(ks[0], (N, D), dtype=jnp.float32)
    edge_index = jax.random.randint(ks[1], (2, E), 0, N)
    edge_attr = jax.random.normal(ks[2], (E, 16), dtype=jnp.float32)
    batch_ptr = jnp.sort(jax.random.randint(ks[3], (N,), 0, G))
    s = 1.0 / np.sqrt(D)
    inp = {
        'node': node,
        'edge_index': edge_index,
        'edge_attr': edge_attr,
        'batch_ptr': batch_ptr,
        'eps': jnp.zeros((), dtype=jnp.float32),
        'W1': jax.random.normal(ks[4], (D, D), dtype=jnp.float32) * s,
        'b1': jnp.zeros((D,), dtype=jnp.float32),
        'g1': jnp.ones((D,), dtype=jnp.float32),
        'be1': jnp.zeros((D,), dtype=jnp.float32),
        'W2': jax.random.normal(ks[5], (D, D), dtype=jnp.float32) * s,
        'b2': jnp.zeros((D,), dtype=jnp.float32),
        'g2': jnp.ones((D,), dtype=jnp.float32),
        'be2': jnp.zeros((D,), dtype=jnp.float32),
        'W3': jax.random.normal(ks[6], (D, D), dtype=jnp.float32) * s,
        'b3': jnp.zeros((D,), dtype=jnp.float32),
        'gn_weight': jnp.ones((D,), dtype=jnp.float32),
        'gn_bias': jnp.zeros((D,), dtype=jnp.float32),
        'gn_mean_scale': jnp.ones((D,), dtype=jnp.float32),
    }
    return inp


def _layernorm(x, g, b):
    mu = jnp.mean(x, axis=-1, keepdims=True)
    var = jnp.var(x, axis=-1, keepdims=True)
    return (x - mu) / jnp.sqrt(var + 1e-5) * g + b


def reference(node, edge_index, edge_attr, batch_ptr, eps, W1, b1, g1, be1, W2, b2, g2, be2, W3, b3, gn_weight, gn_bias, gn_mean_scale):
    # GINConv: (1+eps)*x + sum-aggregation of neighbor messages x_j (src -> dst)
    src = edge_index[0]
    dst = edge_index[1]
    agg = jnp.zeros_like(node).at[dst].add(node[src])
    h = (1.0 + eps) * node + agg
    # MLP: Linear -> LayerNorm -> ReLU -> Linear -> LayerNorm -> ReLU -> Linear (plain last)
    h = jax.nn.relu(_layernorm(h @ W1 + b1, g1, be1))
    h = jax.nn.relu(_layernorm(h @ W2 + b2, g2, be2))
    h = h @ W3 + b3
    # GraphNorm over per-graph batch assignment
    counts = jnp.clip(jnp.bincount(batch_ptr, length=G), 1).astype(h.dtype)[:, None]
    mean = jax.ops.segment_sum(h, batch_ptr, num_segments=G) / counts
    sub = h - gn_mean_scale * mean[batch_ptr]
    var = jax.ops.segment_sum(sub * sub, batch_ptr, num_segments=G) / counts
    out = gn_weight * sub / jnp.sqrt(var[batch_ptr] + 1e-5) + gn_bias
    return jax.nn.relu(out)

if __name__ == "__main__":
    import jax
    _d = setup_inputs()
    print(jax.jit(kernel)(*tuple(_d.values())))

</pallas_src>

<mosaic_0001>
#map = affine_map<(d0, d1) -> (0, 0)>
#map1 = affine_map<(d0, d1) -> (0, 0, 0)>
module attributes {stable_mosaic.version = 14 : i64} {
  func.func @_sc_agg_body(%arg0: i32, %arg1: i32, %arg2: memref<10000x128xf32, #tpu.memory_space<hbm>>, %arg3: memref<2560x2x128xi32, #tpu.memory_space<hbm>>, %arg4: memref<2x10240x128xf32, #tpu.memory_space<hbm>>, %arg5: memref<40x2x128xi32, #tpu.memory_space<vmem>>, %arg6: memref<128x128xf32, #tpu.memory_space<vmem>>, %arg7: memref<128x128xf32, #tpu.memory_space<vmem>>, %arg8: memref<10240x128xf32, #tpu.memory_space<vmem_shared>>, %arg9: memref<!tpu.dma_semaphore, #tpu.memory_space<semaphore_mem>>, %arg10: memref<!tpu.dma_semaphore, #tpu.memory_space<semaphore_mem>>) attributes {dimension_semantics = [#tpu.dimension_semantics<core_parallel>, #tpu.dimension_semantics<subcore_parallel>], iteration_bounds = array<i64: 2, 16>, scalar_prefetch = 0 : i64, scratch_operands = 6 : i64, tpu.core_type = #tpu.core_type<sc_vector_subcore>, window_params = [{transform_indices = #map}, {transform_indices = #map1}, {transform_indices = #map1}]} {
    %scan3A = arith.constant 0 : i32
    %scan3A_0 = arith.constant 0 : i32
    %scan3A_1 = arith.constant 128 : i32
    %scan3A_2 = arith.addi %scan3A_0, %scan3A_1 : i32
    %scan3A_3 = arith.constant 1 : i32
    scf.for %scan3A_47 = %scan3A_0 to %scan3A_2 step %scan3A_3  : i32 {
      %broadcast_in_dim3A = arith.constant 0.000000e+00 : f32
      %broadcast_in_dim3A_48 = vector.broadcast %broadcast_in_dim3A : f32 to vector<16xf32>
      %swap3A = arith.index_cast %scan3A_47 : i32 to index
      %swap3A_49 = arith.constant 0 : index
      %swap3A_50 = tpu.vector_load %arg6[%swap3A, %swap3A_49] {strides = array<i32>} : memref<128x128xf32, #tpu.memory_space<vmem>>, vector<1x16xf32>,
      %swap3A_51 = vector.shape_cast %swap3A_50 : vector<1x16xf32> to vector<16xf32>
      %swap3A_52 = vector.shape_cast %broadcast_in_dim3A_48 : vector<16xf32> to vector<1x16xf32>
      tpu.vector_store %arg6[%swap3A, %swap3A_49], %swap3A_52 {strides = array<i32>} : memref<128x128xf32, #tpu.memory_space<vmem>>, vector<1x16xf32>,
      %broadcast_in_dim3A_53 = arith.constant 0.000000e+00 : f32
      %broadcast_in_dim3A_54 = vector.broadcast %broadcast_in_dim3A_53 : f32 to vector<16xf32>
      %swap3A_55 = arith.index_cast %scan3A_47 : i32 to index
      %swap3A_56 = arith.constant 16 : index
      %swap3A_57 = tpu.vector_load %arg6[%swap3A_55, %swap3A_56] {strides = array<i32>} : memref<128x128xf32, #tpu.memory_space<vmem>>, vector<1x16xf32>,
      %swap3A_58 = vector.shape_cast %swap3A_57 : vector<1x16xf32> to vector<16xf32>
      %swap3A_59 = vector.shape_cast %broadcast_in_dim3A_54 : vector<16xf32> to vector<1x16xf32>
      tpu.vector_store %arg6[%swap3A_55, %swap3A_56], %swap3A_59 {strides = array<i32>} : memref<128x128xf32, #tpu.memory_space<vmem>>, vector<1x16xf32>,
      %broadcast_in_dim3A_60 = arith.constant 0.000000e+00 : f32
      %broadcast_in_dim3A_61 = vector.broadcast %broadcast_in_dim3A_60 : f32 to vector<16xf32>
      %swap3A_62 = arith.index_cast %scan3A_47 : i32 to index
      %swap3A_63 = arith.constant 32 : index
      %swap3A_64 = tpu.vector_load %arg6[%swap3A_62, %swap3A_63] {strides = array<i32>} : memref<128x128xf32, #tpu.memory_space<vmem>>, vector<1x16xf32>,
      %swap3A_65 = vector.shape_cast %swap3A_64 : vector<1x16xf32> to vector<16xf32>
      %swap3A_66 = vector.shape_cast %broadcast_in_dim3A_61 : vector<16xf32> to vector<1x16xf32>
      tpu.vector_store %arg6[%swap3A_62, %swap3A_63], %swap3A_66 {strides = array<i32>} : memref<128x128xf32, #tpu.memory_space<vmem>>, vector<1x16xf32>,
      %broadcast_in_dim3A_67 = arith.constant 0.000000e+00 : f32
      %broadcast_in_dim3A_68 = vector.broadcast %broadcast_in_dim3A_67 : f32 to vector<16xf32>
      %swap3A_69 = arith.index_cast %scan3A_47 : i32 to index
      %swap3A_70 = arith.constant 48 : index
      %swap3A_71 = tpu.vector_load %arg6[%swap3A_69, %swap3A_70] {strides = array<i32>} : memref<128x128xf32, #tpu.memory_space<vmem>>, vector<1x16xf32>,
      %swap3A_72 = vector.shape_cast %swap3A_71 : vector<1x16xf32> to vector<16xf32>
      %swap3A_73 = vector.shape_cast %broadcast_in_dim3A_68 : vector<16xf32> to vector<1x16xf32>
      tpu.vector_store %arg6[%swap3A_69, %swap3A_70], %swap3A_73 {strides = array<i32>} : memref<128x128xf32, #tpu.memory_space<vmem>>, vector<1x16xf32>,
      %broadcast_in_dim3A_74 = arith.constant 0.000000e+00 : f32
      %broadcast_in_dim3A_75 = vector.broadcast %broadcast_in_dim3A_74 : f32 to vector<16xf32>
      %swap3A_76 = arith.index_cast %scan3A_47 : i32 to index
      %swap3A_77 = arith.constant 64 : index
      %swap3A_78 = tpu.vector_load %arg6[%swap3A_76, %swap3A_77] {strides = array<i32>} : memref<128x128xf32, #tpu.memory_space<vmem>>, vector<1x16xf32>,
      %swap3A_79 = vector.shape_cast %swap3A_78 : vector<1x16xf32> to vector<16xf32>
      %swap3A_80 = vector.shape_cast %broadcast_in_dim3A_75 : vector<16xf32> to vector<1x16xf32>
      tpu.vector_store %arg6[%swap3A_76, %swap3A_77], %swap3A_80 {strides = array<i32>} : memref<128x128xf32, #tpu.memory_space<vmem>>, vector<1x16xf32>,
      %broadcast_in_dim3A_81 = arith.constant 0.000000e+00 : f32
      %broadcast_in_dim3A_82 = vector.broadcast %broadcast_in_dim3A_81 : f32 to vector<16xf32>
      %swap3A_83 = arith.index_cast %scan3A_47 : i32 to index
      %swap3A_84 = arith.constant 80 : index
      %swap3A_85 = tpu.vector_load %arg6[%swap3A_83, %swap3A_84] {strides = array<i32>} : memref<128x128xf32, #tpu.memory_space<vmem>>, vector<1x16xf32>,
      %swap3A_86 = vector.shape_cast %swap3A_85 : vector<1x16xf32> to vector<16xf32>
      %swap3A_87 = vector.shape_cast %broadcast_in_dim3A_82 : vector<16xf32> to vector<1x16xf32>
      tpu.vector_store %arg6[%swap3A_83, %swap3A_84], %swap3A_87 {strides = array<i32>} : memref<128x128xf32, #tpu.memory_space<vmem>>, vector<1x16xf32>,
      %broadcast_in_dim3A_88 = arith.constant 0.000000e+00 : f32
      %broadcast_in_dim3A_89 = vector.broadcast %broadcast_in_dim3A_88 : f32 to vector<16xf32>
      %swap3A_90 = arith.index_cast %scan3A_47 : i32 to index
      %swap3A_91 = arith.constant 96 : index
      %swap3A_92 = tpu.vector_load %arg6[%swap3A_90, %swap3A_91] {strides = array<i32>} : memref<128x128xf32, #tpu.memory_space<vmem>>, vector<1x16xf32>,
      %swap3A_93 = vector.shape_cast %swap3A_92 : vector<1x16xf32> to vector<16xf32>
      %swap3A_94 = vector.shape_cast %broadcast_in_dim3A_89 : vector<16xf32> to vector<1x16xf32>
      tpu.vector_store %arg6[%swap3A_90, %swap3A_91], %swap3A_94 {strides = array<i32>} : memref<128x128xf32, #tpu.memory_space<vmem>>, vector<1x16xf32>,
      %broadcast_in_dim3A_95 = arith.constant 0.000000e+00 : f32
      %broadcast_in_dim3A_96 = vector.broadcast %broadcast_in_dim3A_95 : f32 to vector<16xf32>
      %swap3A_97 = arith.index_cast %scan3A_47 : i32 to index
      %swap3A_98 = arith.constant 112 : index
      %swap3A_99 = tpu.vector_load %arg6[%swap3A_97, %swap3A_98] {strides = array<i32>} : memref<128x128xf32, #tpu.memory_space<vmem>>, vector<1x16xf32>,
      %swap3A_100 = vector.shape_cast %swap3A_99 : vector<1x16xf32> to vector<16xf32>
      %swap3A_101 = vector.shape_cast %broadcast_in_dim3A_96 : vector<16xf32> to vector<1x16xf32>
      tpu.vector_store %arg6[%swap3A_97, %swap3A_98], %swap3A_101 {strides = array<i32>} : memref<128x128xf32, #tpu.memory_space<vmem>>, vector<1x16xf32>,
    }
    %scan3A_4 = arith.constant 128 : i32
    %mul3A = arith.constant 640 : i32
    %mul3A_5 = arith.muli %arg1, %mul3A : i32
    %add3A = arith.constant 0 : i32
    %add3A_6 = arith.addi %mul3A_5, %add3A : i32
    "tpu.region"() ({
      %run_scoped3A = tpu.sem_alloc : memref<!tpu.dma_semaphore, #tpu.memory_space<semaphore_mem>>
      %dma_start3A = arith.constant 0 : i32
      %dma_start3A_47 = tpu.memref_slice %arg8[%add3A_6, %dma_start3A] : memref<10240x128xf32, #tpu.memory_space<vmem_shared>> -> memref<128x128xf32, #tpu.memory_space<vmem_shared>>
      %dma_start3A_48 = arith.constant 0 : i32
      %dma_start3A_49 = tpu.memref_slice %arg8[%add3A_6, %dma_start3A_48] : memref<10240x128xf32, #tpu.memory_space<vmem_shared>> -> memref<128x128xf32, #tpu.memory_space<vmem_shared>>
      tpu.enqueue_dma source(%arg6 : memref<128x128xf32, #tpu.memory_space<vmem>>) target(%dma_start3A_49 : memref<128x128xf32, #tpu.memory_space<vmem_shared>>) target_semaphore(%run_scoped3A : memref<!tpu.dma_semaphore, #tpu.memory_space<semaphore_mem>>)
      %dma_wait3A = arith.constant 0 : i32
      %dma_wait3A_50 = tpu.memref_slice %arg8[%add3A_6, %dma_wait3A] : memref<10240x128xf32, #tpu.memory_space<vmem_shared>> -> memref<128x128xf32, #tpu.memory_space<vmem_shared>>
      %dma_wait3A_51 = arith.constant 0 : i32
      %dma_wait3A_52 = tpu.memref_slice %arg8[%add3A_6, %dma_wait3A_51] : memref<10240x128xf32, #tpu.memory_space<vmem_shared>> -> memref<128x128xf32, #tpu.memory_space<vmem_shared>>
      tpu.wait_dma2 semaphore(%run_scoped3A : memref<!tpu.dma_semaphore, #tpu.memory_space<semaphore_mem>>) src(%arg6 : memref<128x128xf32, #tpu.memory_space<vmem>>) dst(%dma_wait3A_52 : memref<128x128xf32, #tpu.memory_space<vmem_shared>>)
      tpu.yield
    }) : () -> ()
    %mul3A_7 = arith.constant 640 : i32
    %mul3A_8 = arith.muli %arg1, %mul3A_7 : i32
    %add3A_9 = arith.constant 128 : i32
    %add3A_10 = arith.addi %mul3A_8, %add3A_9 : i32
    "tpu.region"() ({
      %run_scoped3A = tpu.sem_alloc : memref<!tpu.dma_semaphore, #tpu.memory_space<semaphore_mem>>
      %dma_start3A = arith.constant 0 : i32
      %dma_start3A_47 = tpu.memref_slice %arg8[%add3A_10, %dma_start3A] : memref<10240x128xf32, #tpu.memory_space<vmem_shared>> -> memref<128x128xf32, #tpu.memory_space<vmem_shared>>
      %dma_start3A_48 = arith.constant 0 : i32
      %dma_start3A_49 = tpu.memref_slice %arg8[%add3A_10, %dma_start3A_48] : memref<10240x128xf32, #tpu.memory_space<vmem_shared>> -> memref<128x128xf32, #tpu.memory_space<vmem_shared>>
      tpu.enqueue_dma source(%arg6 : memref<128x128xf32, #tpu.memory_space<vmem>>) target(%dma_start3A_49 : memref<128x128xf32, #tpu.memory_space<vmem_shared>>) target_semaphore(%run_scoped3A : memref<!tpu.dma_semaphore, #tpu.memory_space<semaphore_mem>>)
      %dma_wait3A = arith.constant 0 : i32
      %dma_wait3A_50 = tpu.memref_slice %arg8[%add3A_10, %dma_wait3A] : memref<10240x128xf32, #tpu.memory_space<vmem_shared>> -> memref<128x128xf32, #tpu.memory_space<vmem_shared>>
      %dma_wait3A_51 = arith.constant 0 : i32
      %dma_wait3A_52 = tpu.memref_slice %arg8[%add3A_10, %dma_wait3A_51] : memref<10240x128xf32, #tpu.memory_space<vmem_shared>> -> memref<128x128xf32, #tpu.memory_space<vmem_shared>>
      tpu.wait_dma2 semaphore(%run_scoped3A : memref<!tpu.dma_semaphore, #tpu.memory_space<semaphore_mem>>) src(%arg6 : memref<128x128xf32, #tpu.memory_space<vmem>>) dst(%dma_wait3A_52 : memref<128x128xf32, #tpu.memory_space<vmem_shared>>)
      tpu.yield
    }) : () -> ()
    %mul3A_11 = arith.constant 640 : i32
    %mul3A_12 = arith.muli %arg1, %mul3A_11 : i32
    %add3A_13 = arith.constant 256 : i32
    %add3A_14 = arith.addi %mul3A_12, %add3A_13 : i32
    "tpu.region"() ({
      %run_scoped3A = tpu.sem_alloc : memref<!tpu.dma_semaphore, #tpu.memory_space<semaphore_mem>>
      %dma_start3A = arith.constant 0 : i32
      %dma_start3A_47 = tpu.memref_slice %arg8[%add3A_14, %dma_start3A] : memref<10240x128xf32, #tpu.memory_space<vmem_shared>> -> memref<128x128xf32, #tpu.memory_space<vmem_shared>>
      %dma_start3A_48 = arith.constant 0 : i32
      %dma_start3A_49 = tpu.memref_slice %arg8[%add3A_14, %dma_start3A_48] : memref<10240x128xf32, #tpu.memory_space<vmem_shared>> -> memref<128x128xf32, #tpu.memory_space<vmem_shared>>
      tpu.enqueue_dma source(%arg6 : memref<128x128xf32, #tpu.memory_space<vmem>>) target(%dma_start3A_49 : memref<128x128xf32, #tpu.memory_space<vmem_shared>>) target_semaphore(%run_scoped3A : memref<!tpu.dma_semaphore, #tpu.memory_space<semaphore_mem>>)
      %dma_wait3A = arith.constant 0 : i32
      %dma_wait3A_50 = tpu.memref_slice %arg8[%add3A_14, %dma_wait3A] : memref<10240x128xf32, #tpu.memory_space<vmem_shared>> -> memref<128x128xf32, #tpu.memory_space<vmem_shared>>
      %dma_wait3A_51 = arith.constant 0 : i32
      %dma_wait3A_52 = tpu.memref_slice %arg8[%add3A_14, %dma_wait3A_51] : memref<10240x128xf32, #tpu.memory_space<vmem_shared>> -> memref<128x128xf32, #tpu.memory_space<vmem_shared>>
      tpu.wait_dma2 semaphore(%run_scoped3A : memref<!tpu.dma_semaphore, #tpu.memory_space<semaphore_mem>>) src(%arg6 : memref<128x128xf32, #tpu.memory_space<vmem>>) dst(%dma_wait3A_52 : memref<128x128xf32, #tpu.memory_space<vmem_shared>>)
      tpu.yield
    }) : () -> ()
    %mul3A_15 = arith.constant 640 : i32
    %mul3A_16 = arith.muli %arg1, %mul3A_15 : i32
    %add3A_17 = arith.constant 384 : i32
    %add3A_18 = arith.addi %mul3A_16, %add3A_17 : i32
    "tpu.region"() ({
      %run_scoped3A = tpu.sem_alloc : memref<!tpu.dma_semaphore, #tpu.memory_space<semaphore_mem>>
      %dma_start3A = arith.constant 0 : i32
      %dma_start3A_47 = tpu.memref_slice %arg8[%add3A_18, %dma_start3A] : memref<10240x128xf32, #tpu.memory_space<vmem_shared>> -> memref<128x128xf32, #tpu.memory_space<vmem_shared>>
      %dma_start3A_48 = arith.constant 0 : i32
      %dma_start3A_49 = tpu.memref_slice %arg8[%add3A_18, %dma_start3A_48] : memref<10240x128xf32, #tpu.memory_space<vmem_shared>> -> memref<128x128xf32, #tpu.memory_space<vmem_shared>>
      tpu.enqueue_dma source(%arg6 : memref<128x128xf32, #tpu.memory_space<vmem>>) target(%dma_start3A_49 : memref<128x128xf32, #tpu.memory_space<vmem_shared>>) target_semaphore(%run_scoped3A : memref<!tpu.dma_semaphore, #tpu.memory_space<semaphore_mem>>)
      %dma_wait3A = arith.constant 0 : i32
      %dma_wait3A_50 = tpu.memref_slice %arg8[%add3A_18, %dma_wait3A] : memref<10240x128xf32, #tpu.memory_space<vmem_shared>> -> memref<128x128xf32, #tpu.memory_space<vmem_shared>>
      %dma_wait3A_51 = arith.constant 0 : i32
      %dma_wait3A_52 = tpu.memref_slice %arg8[%add3A_18, %dma_wait3A_51] : memref<10240x128xf32, #tpu.memory_space<vmem_shared>> -> memref<128x128xf32, #tpu.memory_space<vmem_shared>>
      tpu.wait_dma2 semaphore(%run_scoped3A : memref<!tpu.dma_semaphore, #tpu.memory_space<semaphore_mem>>) src(%arg6 : memref<128x128xf32, #tpu.memory_space<vmem>>) dst(%dma_wait3A_52 : memref<128x128xf32, #tpu.memory_space<vmem_shared>>)
      tpu.yield
    }) : () -> ()
    %mul3A_19 = arith.constant 640 : i32
    %mul3A_20 = arith.muli %arg1, %mul3A_19 : i32
    %add3A_21 = arith.constant 512 : i32
    %add3A_22 = arith.addi %mul3A_20, %add3A_21 : i32
    "tpu.region"() ({
      %run_scoped3A = tpu.sem_alloc : memref<!tpu.dma_semaphore, #tpu.memory_space<semaphore_mem>>
      %dma_start3A = arith.constant 0 : i32
      %dma_start3A_47 = tpu.memref_slice %arg8[%add3A_22, %dma_start3A] : memref<10240x128xf32, #tpu.memory_space<vmem_shared>> -> memref<128x128xf32, #tpu.memory_space<vmem_shared>>
      %dma_start3A_48 = arith.constant 0 : i32
      %dma_start3A_49 = tpu.memref_slice %arg8[%add3A_22, %dma_start3A_48] : memref<10240x128xf32, #tpu.memory_space<vmem_shared>> -> memref<128x128xf32, #tpu.memory_space<vmem_shared>>
      tpu.enqueue_dma source(%arg6 : memref<128x128xf32, #tpu.memory_space<vmem>>) target(%dma_start3A_49 : memref<128x128xf32, #tpu.memory_space<vmem_shared>>) target_semaphore(%run_scoped3A : memref<!tpu.dma_semaphore, #tpu.memory_space<semaphore_mem>>)
      %dma_wait3A = arith.constant 0 : i32
      %dma_wait3A_50 = tpu.memref_slice %arg8[%add3A_22, %dma_wait3A] : memref<10240x128xf32, #tpu.memory_space<vmem_shared>> -> memref<128x128xf32, #tpu.memory_space<vmem_shared>>
      %dma_wait3A_51 = arith.constant 0 : i32
      %dma_wait3A_52 = tpu.memref_slice %arg8[%add3A_22, %dma_wait3A_51] : memref<10240x128xf32, #tpu.memory_space<vmem_shared>> -> memref<128x128xf32, #tpu.memory_space<vmem_shared>>
      tpu.wait_dma2 semaphore(%run_scoped3A : memref<!tpu.dma_semaphore, #tpu.memory_space<semaphore_mem>>) src(%arg6 : memref<128x128xf32, #tpu.memory_space<vmem>>) dst(%dma_wait3A_52 : memref<128x128xf32, #tpu.memory_space<vmem_shared>>)
      tpu.yield
    }) : () -> ()
    %barrier3A = arith.constant 0 : index
    tpu.barrier barrier_id(%barrier3A)
    %mul3A_23 = arith.constant 160 : i32
    %mul3A_24 = arith.muli %arg1, %mul3A_23 : i32
    %eq3A = arith.constant 0 : i32
    %eq3A_25 = arith.cmpi eq, %arg0, %eq3A : i32
    %jit3A = arith.constant 0 : i32
    %jit3A_26 = arith.constant 120 : i32
    %select_n3A = arith.select %eq3A_25, %jit3A, %jit3A_26 : i32
    %add3A_27 = arith.addi %mul3A_24, %select_n3A : i32
    %eq3A_28 = arith.constant 0 : i32
    %eq3A_29 = arith.cmpi eq, %arg0, %eq3A_28 : i32
    %jit3A_30 = arith.constant 3 : i32
    %jit3A_31 = arith.constant 1 : i32
    %select_n3A_32 = arith.select %eq3A_29, %jit3A_30, %jit3A_31 : i32
    %while3A = arith.constant 0 : i32
    %while3A_33 = arith.constant 0 : i32
    %while3A_34 = arith.subi %select_n3A_32, %while3A_33 : i32
    %while3A_35 = arith.addi %while3A_33, %while3A_34 : i32
    %while3A_36 = arith.constant 1 : i32
    %while3A_37 = arith.divsi %while3A_34, %while3A_36 : i32
    %while3A_38 = arith.muli %while3A_37, %while3A_36 : i32
    %while3A_39 = arith.addi %while3A_33, %while3A_38 : i32
    %while3A_40 = arith.constant 1 : i32
    scf.for %while3A_47 = %while3A_33 to %while3A_39 step %while3A_40  : i32 {
      %mul3A_48 = arith.constant 40 : i32
      %mul3A_49 = arith.muli %while3A_47, %mul3A_48 : i32
      %add3A_50 = arith.addi %add3A_27, %mul3A_49 : i32
      "tpu.region"() ({
        %run_scoped3A = tpu.sem_alloc : memref<!tpu.dma_semaphore, #tpu.memory_space<semaphore_mem>>
        %dma_start3A_64 = arith.constant 0 : i32
        %dma_start3A_65 = arith.constant 0 : i32
        %dma_start3A_66 = tpu.memref_slice %arg3[%add3A_50, %dma_start3A_64, %dma_start3A_65] : memref<2560x2x128xi32, #tpu.memory_space<hbm>> -> memref<40x2x128xi32, #tpu.memory_space<hbm>>
        %dma_start3A_67 = arith.constant 0 : i32
        %dma_start3A_68 = arith.constant 0 : i32
        %dma_start3A_69 = tpu.memref_slice %arg3[%add3A_50, %dma_start3A_67, %dma_start3A_68] : memref<2560x2x128xi32, #tpu.memory_space<hbm>> -> memref<40x2x128xi32, #tpu.memory_space<hbm>>
        tpu.enqueue_dma source(%dma_start3A_69 : memref<40x2x128xi32, #tpu.memory_space<hbm>>) target(%arg5 : memref<40x2x128xi32, #tpu.memory_space<vmem>>) target_semaphore(%run_scoped3A : memref<!tpu.dma_semaphore, #tpu.memory_space<semaphore_mem>>)
        %dma_wait3A = arith.constant 0 : i32
        %dma_wait3A_70 = arith.constant 0 : i32
        %dma_wait3A_71 = tpu.memref_slice %arg3[%add3A_50, %dma_wait3A, %dma_wait3A_70] : memref<2560x2x128xi32, #tpu.memory_space<hbm>> -> memref<40x2x128xi32, #tpu.memory_space<hbm>>
        %dma_wait3A_72 = arith.constant 0 : i32
        %dma_wait3A_73 = arith.constant 0 : i32
        %dma_wait3A_74 = tpu.memref_slice %arg3[%add3A_50, %dma_wait3A_72, %dma_wait3A_73] : memref<2560x2x128xi32, #tpu.memory_space<hbm>> -> memref<40x2x128xi32, #tpu.memory_space<hbm>>
        tpu.wait_dma2 semaphore(%run_scoped3A : memref<!tpu.dma_semaphore, #tpu.memory_space<semaphore_mem>>) src(%dma_wait3A_74 : memref<40x2x128xi32, #tpu.memory_space<hbm>>) dst(%arg5 : memref<40x2x128xi32, #tpu.memory_space<vmem>>)
        tpu.yield
      }) : () -> ()
      %dma_start3A = arith.constant 0 : i32
      %dma_start3A_51 = arith.constant 0 : i32
      %dma_start3A_52 = arith.constant 0 : i32
      %dma_start3A_53 = tpu.memref_slice %arg5[%dma_start3A, %dma_start3A_51, %dma_start3A_52] : memref<40x2x128xi32, #tpu.memory_space<vmem>> -> memref<1x1x128xi32, #tpu.memory_space<vmem>>
      %dma_start3A_54 = tpu.memref_squeeze %dma_start3A_53 : memref<1x1x128xi32, #tpu.memory_space<vmem>> -> memref<128xi32, #tpu.memory_space<vmem>>
      %dma_start3A_55 = arith.constant 0 : i32
      %dma_start3A_56 = arith.constant 0 : i32
      %dma_start3A_57 = tpu.memref_slice %arg2[%dma_start3A_55, %dma_start3A_56] : memref<10000x128xf32, #tpu.memory_space<hbm>> -> memref<10000x128xf32, #tpu.memory_space<hbm>>
      tpu.enqueue_indirect_dma source(%dma_start3A_57 : memref<10000x128xf32, #tpu.memory_space<hbm>>) target(%arg6 : memref<128x128xf32, #tpu.memory_space<vmem>>) offsets(%dma_start3A_54 : memref<128xi32, #tpu.memory_space<vmem>>) semaphore(%arg9 : memref<!tpu.dma_semaphore, #tpu.memory_space<semaphore_mem>>)
      %scan3A_58 = arith.constant 0 : i32
      %scan3A_59 = arith.constant 0 : i32
      %scan3A_60 = arith.constant 20 : i32
      %scan3A_61 = arith.addi %scan3A_59, %scan3A_60 : i32
      %scan3A_62 = arith.constant 1 : i32
      scf.for %scan3A_64 = %scan3A_59 to %scan3A_61 step %scan3A_62  : i32 {
        %mul3A_65 = arith.constant 2 : i32
        %mul3A_66 = arith.muli %mul3A_65, %scan3A_64 : i32
        %add3A_67 = arith.constant 1 : i32
        %add3A_68 = arith.addi %mul3A_66, %add3A_67 : i32
        %dma_start3A_69 = arith.constant 0 : i32
        %dma_start3A_70 = arith.constant 0 : i32
        %dma_start3A_71 = tpu.memref_slice %arg5[%add3A_68, %dma_start3A_69, %dma_start3A_70] : memref<40x2x128xi32, #tpu.memory_space<vmem>> -> memref<1x1x128xi32, #tpu.memory_space<vmem>>
        %dma_start3A_72 = tpu.memref_squeeze %dma_start3A_71 : memref<1x1x128xi32, #tpu.memory_space<vmem>> -> memref<128xi32, #tpu.memory_space<vmem>>
        %dma_start3A_73 = arith.constant 0 : i32
        %dma_start3A_74 = arith.constant 0 : i32
        %dma_start3A_75 = tpu.memref_slice %arg2[%dma_start3A_73, %dma_start3A_74] : memref<10000x128xf32, #tpu.memory_space<hbm>> -> memref<10000x128xf32, #tpu.memory_space<hbm>>
        tpu.enqueue_indirect_dma source(%dma_start3A_75 : memref<10000x128xf32, #tpu.memory_space<hbm>>) target(%arg7 : memref<128x128xf32, #tpu.memory_space<vmem>>) offsets(%dma_start3A_72 : memref<128xi32, #tpu.memory_space<vmem>>) semaphore(%arg10 : memref<!tpu.dma_semaphore, #tpu.memory_space<semaphore_mem>>)
        %dma_wait3A = arith.constant 0 : i32
        %dma_wait3A_76 = arith.constant 0 : i32
        %dma_wait3A_77 = tpu.memref_slice %arg5[%mul3A_66, %dma_wait3A, %dma_wait3A_76] : memref<40x2x128xi32, #tpu.memory_space<vmem>> -> memref<1x1x128xi32, #tpu.memory_space<vmem>>
        %dma_wait3A_78 = tpu.memref_squeeze %dma_wait3A_77 : memref<1x1x128xi32, #tpu.memory_space<vmem>> -> memref<128xi32, #tpu.memory_space<vmem>>
        %dma_wait3A_79 = arith.constant 0 : i32
        %dma_wait3A_80 = arith.constant 0 : i32
        %dma_wait3A_81 = tpu.memref_slice %arg2[%dma_wait3A_79, %dma_wait3A_80] : memref<10000x128xf32, #tpu.memory_space<hbm>> -> memref<10000x128xf32, #tpu.memory_space<hbm>>
        tpu.wait_indirect_dma semaphore(%arg9 : memref<!tpu.dma_semaphore, #tpu.memory_space<semaphore_mem>>) src(%dma_wait3A_81 : memref<10000x128xf32, #tpu.memory_space<hbm>>) dst(%arg6 : memref<128x128xf32, #tpu.memory_space<vmem>>)
        %run_scoped3A = arith.constant 1 : i32
        "tpu.region"() ({
          %run_scoped3A_98 = tpu.sem_alloc : memref<!tpu.dma_semaphore, #tpu.memory_space<semaphore_mem>>
          %dma_start3A_99 = arith.constant 0 : i32
          %dma_start3A_100 = tpu.memref_slice %arg5[%mul3A_66, %run_scoped3A, %dma_start3A_99] : memref<40x2x128xi32, #tpu.memory_space<vmem>> -> memref<1x1x128xi32, #tpu.memory_space<vmem>>
          %dma_start3A_101 = tpu.memref_squeeze %dma_start3A_100 : memref<1x1x128xi32, #tpu.memory_space<vmem>> -> memref<128xi32, #tpu.memory_space<vmem>>
          %dma_start3A_102 = arith.constant 0 : i32
          %dma_start3A_103 = arith.constant 0 : i32
          %dma_start3A_104 = tpu.memref_slice %arg8[%dma_start3A_102, %dma_start3A_103] : memref<10240x128xf32, #tpu.memory_space<vmem_shared>> -> memref<10240x128xf32, #tpu.memory_space<vmem_shared>>
          tpu.enqueue_indirect_dma source(%arg6 : memref<128x128xf32, #tpu.memory_space<vmem>>) target(%dma_start3A_104 : memref<10240x128xf32, #tpu.memory_space<vmem_shared>>) offsets(%dma_start3A_101 : memref<128xi32, #tpu.memory_space<vmem>>) semaphore(%run_scoped3A_98 : memref<!tpu.dma_semaphore, #tpu.memory_space<semaphore_mem>>) {add = true}
          %dma_wait3A_105 = arith.constant 0 : i32
          %dma_wait3A_106 = tpu.memref_slice %arg5[%mul3A_66, %run_scoped3A, %dma_wait3A_105] : memref<40x2x128xi32, #tpu.memory_space<vmem>> -> memref<1x1x128xi32, #tpu.memory_space<vmem>>
          %dma_wait3A_107 = tpu.memref_squeeze %dma_wait3A_106 : memref<1x1x128xi32, #tpu.memory_space<vmem>> -> memref<128xi32, #tpu.memory_space<vmem>>
          %dma_wait3A_108 = arith.constant 0 : i32
          %dma_wait3A_109 = arith.constant 0 : i32
          %dma_wait3A_110 = tpu.memref_slice %arg8[%dma_wait3A_108, %dma_wait3A_109] : memref<10240x128xf32, #tpu.memory_space<vmem_shared>> -> memref<10240x128xf32, #tpu.memory_space<vmem_shared>>
          tpu.wait_indirect_dma semaphore(%run_scoped3A_98 : memref<!tpu.dma_semaphore, #tpu.memory_space<semaphore_mem>>) src(%arg6 : memref<128x128xf32, #tpu.memory_space<vmem>>) dst(%dma_wait3A_110 : memref<10240x128xf32, #tpu.memory_space<vmem_shared>>)
          tpu.yield
        }) : () -> ()
        %add3A_82 = arith.constant 1 : i32
        %add3A_83 = arith.addi %scan3A_64, %add3A_82 : i32
        %lt3A = arith.constant 20 : i32
        %lt3A_84 = arith.cmpi slt, %add3A_83, %lt3A : i32
        %convert_element_type3A = arith.extui %lt3A_84 : i1 to i32
        %cond3A = arith.constant 0 : i32
        %cond3A_85 = arith.cmpi ne, %convert_element_type3A, %cond3A : i32
        scf.if %cond3A_85 {
          %add3A_98 = arith.constant 2 : i32
          %add3A_99 = arith.addi %mul3A_66, %add3A_98 : i32
          %dma_start3A_100 = arith.constant 0 : i32
          %dma_start3A_101 = arith.constant 0 : i32
          %dma_start3A_102 = tpu.memref_slice %arg5[%add3A_99, %dma_start3A_100, %dma_start3A_101] : memref<40x2x128xi32, #tpu.memory_space<vmem>> -> memref<1x1x128xi32, #tpu.memory_space<vmem>>
          %dma_start3A_103 = tpu.memref_squeeze %dma_start3A_102 : memref<1x1x128xi32, #tpu.memory_space<vmem>> -> memref<128xi32, #tpu.memory_space<vmem>>
          %dma_start3A_104 = arith.constant 0 : i32
          %dma_start3A_105 = arith.constant 0 : i32
          %dma_start3A_106 = tpu.memref_slice %arg2[%dma_start3A_104, %dma_start3A_105] : memref<10000x128xf32, #tpu.memory_space<hbm>> -> memref<10000x128xf32, #tpu.memory_space<hbm>>
          tpu.enqueue_indirect_dma source(%dma_start3A_106 : memref<10000x128xf32, #tpu.memory_space<hbm>>) target(%arg6 : memref<128x128xf32, #tpu.memory_space<vmem>>) offsets(%dma_start3A_103 : memref<128xi32, #tpu.memory_space<vmem>>) semaphore(%arg9 : memref<!tpu.dma_semaphore, #tpu.memory_space<semaphore_mem>>)
        } else {
        }
        %add3A_86 = arith.constant 1 : i32
        %add3A_87 = arith.addi %mul3A_66, %add3A_86 : i32
        %dma_wait3A_88 = arith.constant 0 : i32
        %dma_wait3A_89 = arith.constant 0 : i32
        %dma_wait3A_90 = tpu.memref_slice %arg5[%add3A_87, %dma_wait3A_88, %dma_wait3A_89] : memref<40x2x128xi32, #tpu.memory_space<vmem>> -> memref<1x1x128xi32, #tpu.memory_space<vmem>>
        %dma_wait3A_91 = tpu.memref_squeeze %dma_wait3A_90 : memref<1x1x128xi32, #tpu.memory_space<vmem>> -> memref<128xi32, #tpu.memory_space<vmem>>
        %dma_wait3A_92 = arith.constant 0 : i32
        %dma_wait3A_93 = arith.constant 0 : i32
        %dma_wait3A_94 = tpu.memref_slice %arg2[%dma_wait3A_92, %dma_wait3A_93] : memref<10000x128xf32, #tpu.memory_space<hbm>> -> memref<10000x128xf32, #tpu.memory_space<hbm>>
        tpu.wait_indirect_dma semaphore(%arg10 : memref<!tpu.dma_semaphore, #tpu.memory_space<semaphore_mem>>) src(%dma_wait3A_94 : memref<10000x128xf32, #tpu.memory_space<hbm>>) dst(%arg7 : memref<128x128xf32, #tpu.memory_space<vmem>>)
        %add3A_95 = arith.constant 1 : i32
        %add3A_96 = arith.addi %mul3A_66, %add3A_95 : i32
        %run_scoped3A_97 = arith.constant 1 : i32
        "tpu.region"() ({
          %run_scoped3A_98 = tpu.sem_alloc : memref<!tpu.dma_semaphore, #tpu.memory_space<semaphore_mem>>
          %dma_start3A_99 = arith.constant 0 : i32
          %dma_start3A_100 = tpu.memref_slice %arg5[%add3A_96, %run_scoped3A_97, %dma_start3A_99] : memref<40x2x128xi32, #tpu.memory_space<vmem>> -> memref<1x1x128xi32, #tpu.memory_space<vmem>>
          %dma_start3A_101 = tpu.memref_squeeze %dma_start3A_100 : memref<1x1x128xi32, #tpu.memory_space<vmem>> -> memref<128xi32, #tpu.memory_space<vmem>>
          %dma_start3A_102 = arith.constant 0 : i32
          %dma_start3A_103 = arith.constant 0 : i32
          %dma_start3A_104 = tpu.memref_slice %arg8[%dma_start3A_102, %dma_start3A_103] : memref<10240x128xf32, #tpu.memory_space<vmem_shared>> -> memref<10240x128xf32, #tpu.memory_space<vmem_shared>>
          tpu.enqueue_indirect_dma source(%arg7 : memref<128x128xf32, #tpu.memory_space<vmem>>) target(%dma_start3A_104 : memref<10240x128xf32, #tpu.memory_space<vmem_shared>>) offsets(%dma_start3A_101 : memref<128xi32, #tpu.memory_space<vmem>>) semaphore(%run_scoped3A_98 : memref<!tpu.dma_semaphore, #tpu.memory_space<semaphore_mem>>) {add = true}
          %dma_wait3A_105 = arith.constant 0 : i32
          %dma_wait3A_106 = tpu.memref_slice %arg5[%add3A_96, %run_scoped3A_97, %dma_wait3A_105] : memref<40x2x128xi32, #tpu.memory_space<vmem>> -> memref<1x1x128xi32, #tpu.memory_space<vmem>>
          %dma_wait3A_107 = tpu.memref_squeeze %dma_wait3A_106 : memref<1x1x128xi32, #tpu.memory_space<vmem>> -> memref<128xi32, #tpu.memory_space<vmem>>
          %dma_wait3A_108 = arith.constant 0 : i32
          %dma_wait3A_109 = arith.constant 0 : i32
          %dma_wait3A_110 = tpu.memref_slice %arg8[%dma_wait3A_108, %dma_wait3A_109] : memref<10240x128xf32, #tpu.memory_space<vmem_shared>> -> memref<10240x128xf32, #tpu.memory_space<vmem_shared>>
          tpu.wait_indirect_dma semaphore(%run_scoped3A_98 : memref<!tpu.dma_semaphore, #tpu.memory_space<semaphore_mem>>) src(%arg7 : memref<128x128xf32, #tpu.memory_space<vmem>>) dst(%dma_wait3A_110 : memref<10240x128xf32, #tpu.memory_space<vmem_shared>>)
          tpu.yield
        }) : () -> ()
      }
      %scan3A_63 = arith.constant 20 : i32
    }
    %while3A_41 = arith.constant 1 : i32
    scf.for %while3A_47 = %while3A_39 to %while3A_35 step %while3A_41  : i32 {
      %mul3A_48 = arith.constant 40 : i32
      %mul3A_49 = arith.muli %while3A_47, %mul3A_48 : i32
      %add3A_50 = arith.addi %add3A_27, %mul3A_49 : i32
      "tpu.region"() ({
        %run_scoped3A = tpu.sem_alloc : memref<!tpu.dma_semaphore, #tpu.memory_space<semaphore_mem>>
        %dma_start3A_64 = arith.constant 0 : i32
        %dma_start3A_65 = arith.constant 0 : i32
        %dma_start3A_66 = tpu.memref_slice %arg3[%add3A_50, %dma_start3A_64, %dma_start3A_65] : memref<2560x2x128xi32, #tpu.memory_space<hbm>> -> memref<40x2x128xi32, #tpu.memory_space<hbm>>
        %dma_start3A_67 = arith.constant 0 : i32
        %dma_start3A_68 = arith.constant 0 : i32
        %dma_start3A_69 = tpu.memref_slice %arg3[%add3A_50, %dma_start3A_67, %dma_start3A_68] : memref<2560x2x128xi32, #tpu.memory_space<hbm>> -> memref<40x2x128xi32, #tpu.memory_space<hbm>>
        tpu.enqueue_dma source(%dma_start3A_69 : memref<40x2x128xi32, #tpu.memory_space<hbm>>) target(%arg5 : memref<40x2x128xi32, #tpu.memory_space<vmem>>) target_semaphore(%run_scoped3A : memref<!tpu.dma_semaphore, #tpu.memory_space<semaphore_mem>>)
        %dma_wait3A = arith.constant 0 : i32
        %dma_wait3A_70 = arith.constant 0 : i32
        %dma_wait3A_71 = tpu.memref_slice %arg3[%add3A_50, %dma_wait3A, %dma_wait3A_70] : memref<2560x2x128xi32, #tpu.memory_space<hbm>> -> memref<40x2x128xi32, #tpu.memory_space<hbm>>
        %dma_wait3A_72 = arith.constant 0 : i32
        %dma_wait3A_73 = arith.constant 0 : i32
        %dma_wait3A_74 = tpu.memref_slice %arg3[%add3A_50, %dma_wait3A_72, %dma_wait3A_73] : memref<2560x2x128xi32, #tpu.memory_space<hbm>> -> memref<40x2x128xi32, #tpu.memory_space<hbm>>
        tpu.wait_dma2 semaphore(%run_scoped3A : memref<!tpu.dma_semaphore, #tpu.memory_space<semaphore_mem>>) src(%dma_wait3A_74 : memref<40x2x128xi32, #tpu.memory_space<hbm>>) dst(%arg5 : memref<40x2x128xi32, #tpu.memory_space<vmem>>)
        tpu.yield
      }) : () -> ()
      %dma_start3A = arith.constant 0 : i32
      %dma_start3A_51 = arith.constant 0 : i32
      %dma_start3A_52 = arith.constant 0 : i32
      %dma_start3A_53 = tpu.memref_slice %arg5[%dma_start3A, %dma_start3A_51, %dma_start3A_52] : memref<40x2x128xi32, #tpu.memory_space<vmem>> -> memref<1x1x128xi32, #tpu.memory_space<vmem>>
      %dma_start3A_54 = tpu.memref_squeeze %dma_start3A_53 : memref<1x1x128xi32, #tpu.memory_space<vmem>> -> memref<128xi32, #tpu.memory_space<vmem>>
      %dma_start3A_55 = arith.constant 0 : i32
      %dma_start3A_56 = arith.constant 0 : i32
      %dma_start3A_57 = tpu.memref_slice %arg2[%dma_start3A_55, %dma_start3A_56] : memref<10000x128xf32, #tpu.memory_space<hbm>> -> memref<10000x128xf32, #tpu.memory_space<hbm>>
      tpu.enqueue_indirect_dma source(%dma_start3A_57 : memref<10000x128xf32, #tpu.memory_space<hbm>>) target(%arg6 : memref<128x128xf32, #tpu.memory_space<vmem>>) offsets(%dma_start3A_54 : memref<128xi32, #tpu.memory_space<vmem>>) semaphore(%arg9 : memref<!tpu.dma_semaphore, #tpu.memory_space<semaphore_mem>>)
      %scan3A_58 = arith.constant 0 : i32
      %scan3A_59 = arith.constant 0 : i32
      %scan3A_60 = arith.constant 20 : i32
      %scan3A_61 = arith.addi %scan3A_59, %scan3A_60 : i32
      %scan3A_62 = arith.constant 1 : i32
      scf.for %scan3A_64 = %scan3A_59 to %scan3A_61 step %scan3A_62  : i32 {
        %mul3A_65 = arith.constant 2 : i32
        %mul3A_66 = arith.muli %mul3A_65, %scan3A_64 : i32
        %add3A_67 = arith.constant 1 : i32
        %add3A_68 = arith.addi %mul3A_66, %add3A_67 : i32
        %dma_start3A_69 = arith.constant 0 : i32
        %dma_start3A_70 = arith.constant 0 : i32
        %dma_start3A_71 = tpu.memref_slice %arg5[%add3A_68, %dma_start3A_69, %dma_start3A_70] : memref<40x2x128xi32, #tpu.memory_space<vmem>> -> memref<1x1x128xi32, #tpu.memory_space<vmem>>
        %dma_start3A_72 = tpu.memref_squeeze %dma_start3A_71 : memref<1x1x128xi32, #tpu.memory_space<vmem>> -> memref<128xi32, #tpu.memory_space<vmem>>
        %dma_start3A_73 = arith.constant 0 : i32
        %dma_start3A_74 = arith.constant 0 : i32
        %dma_start3A_75 = tpu.memref_slice %arg2[%dma_start3A_73, %dma_start3A_74] : memref<10000x128xf32, #tpu.memory_space<hbm>> -> memref<10000x128xf32, #tpu.memory_space<hbm>>
        tpu.enqueue_indirect_dma source(%dma_start3A_75 : memref<10000x128xf32, #tpu.memory_space<hbm>>) target(%arg7 : memref<128x128xf32, #tpu.memory_space<vmem>>) offsets(%dma_start3A_72 : memref<128xi32, #tpu.memory_space<vmem>>) semaphore(%arg10 : memref<!tpu.dma_semaphore, #tpu.memory_space<semaphore_mem>>)
        %dma_wait3A = arith.constant 0 : i32
        %dma_wait3A_76 = arith.constant 0 : i32
        %dma_wait3A_77 = tpu.memref_slice %arg5[%mul3A_66, %dma_wait3A, %dma_wait3A_76] : memref<40x2x128xi32, #tpu.memory_space<vmem>> -> memref<1x1x128xi32, #tpu.memory_space<vmem>>
        %dma_wait3A_78 = tpu.memref_squeeze %dma_wait3A_77 : memref<1x1x128xi32, #tpu.memory_space<vmem>> -> memref<128xi32, #tpu.memory_space<vmem>>
        %dma_wait3A_79 = arith.constant 0 : i32
        %dma_wait3A_80 = arith.constant 0 : i32
        %dma_wait3A_81 = tpu.memref_slice %arg2[%dma_wait3A_79, %dma_wait3A_80] : memref<10000x128xf32, #tpu.memory_space<hbm>> -> memref<10000x128xf32, #tpu.memory_space<hbm>>
        tpu.wait_indirect_dma semaphore(%arg9 : memref<!tpu.dma_semaphore, #tpu.memory_space<semaphore_mem>>) src(%dma_wait3A_81 : memref<10000x128xf32, #tpu.memory_space<hbm>>) dst(%arg6 : memref<128x128xf32, #tpu.memory_space<vmem>>)
        %run_scoped3A = arith.constant 1 : i32
        "tpu.region"() ({
          %run_scoped3A_98 = tpu.sem_alloc : memref<!tpu.dma_semaphore, #tpu.memory_space<semaphore_mem>>
          %dma_start3A_99 = arith.constant 0 : i32
          %dma_start3A_100 = tpu.memref_slice %arg5[%mul3A_66, %run_scoped3A, %dma_start3A_99] : memref<40x2x128xi32, #tpu.memory_space<vmem>> -> memref<1x1x128xi32, #tpu.memory_space<vmem>>
          %dma_start3A_101 = tpu.memref_squeeze %dma_start3A_100 : memref<1x1x128xi32, #tpu.memory_space<vmem>> -> memref<128xi32, #tpu.memory_space<vmem>>
          %dma_start3A_102 = arith.constant 0 : i32
          %dma_start3A_103 = arith.constant 0 : i32
          %dma_start3A_104 = tpu.memref_slice %arg8[%dma_start3A_102, %dma_start3A_103] : memref<10240x128xf32, #tpu.memory_space<vmem_shared>> -> memref<10240x128xf32, #tpu.memory_space<vmem_shared>>
          tpu.enqueue_indirect_dma source(%arg6 : memref<128x128xf32, #tpu.memory_space<vmem>>) target(%dma_start3A_104 : memref<10240x128xf32, #tpu.memory_space<vmem_shared>>) offsets(%dma_start3A_101 : memref<128xi32, #tpu.memory_space<vmem>>) semaphore(%run_scoped3A_98 : memref<!tpu.dma_semaphore, #tpu.memory_space<semaphore_mem>>) {add = true}
          %dma_wait3A_105 = arith.constant 0 : i32
          %dma_wait3A_106 = tpu.memref_slice %arg5[%mul3A_66, %run_scoped3A, %dma_wait3A_105] : memref<40x2x128xi32, #tpu.memory_space<vmem>> -> memref<1x1x128xi32, #tpu.memory_space<vmem>>
          %dma_wait3A_107 = tpu.memref_squeeze %dma_wait3A_106 : memref<1x1x128xi32, #tpu.memory_space<vmem>> -> memref<128xi32, #tpu.memory_space<vmem>>
          %dma_wait3A_108 = arith.constant 0 : i32
          %dma_wait3A_109 = arith.constant 0 : i32
          %dma_wait3A_110 = tpu.memref_slice %arg8[%dma_wait3A_108, %dma_wait3A_109] : memref<10240x128xf32, #tpu.memory_space<vmem_shared>> -> memref<10240x128xf32, #tpu.memory_space<vmem_shared>>
          tpu.wait_indirect_dma semaphore(%run_scoped3A_98 : memref<!tpu.dma_semaphore, #tpu.memory_space<semaphore_mem>>) src(%arg6 : memref<128x128xf32, #tpu.memory_space<vmem>>) dst(%dma_wait3A_110 : memref<10240x128xf32, #tpu.memory_space<vmem_shared>>)
          tpu.yield
        }) : () -> ()
        %add3A_82 = arith.constant 1 : i32
        %add3A_83 = arith.addi %scan3A_64, %add3A_82 : i32
        %lt3A = arith.constant 20 : i32
        %lt3A_84 = arith.cmpi slt, %add3A_83, %lt3A : i32
        %convert_element_type3A = arith.extui %lt3A_84 : i1 to i32
        %cond3A = arith.constant 0 : i32
        %cond3A_85 = arith.cmpi ne, %convert_element_type3A, %cond3A : i32
        scf.if %cond3A_85 {
          %add3A_98 = arith.constant 2 : i32
          %add3A_99 = arith.addi %mul3A_66, %add3A_98 : i32
          %dma_start3A_100 = arith.constant 0 : i32
          %dma_start3A_101 = arith.constant 0 : i32
          %dma_start3A_102 = tpu.memref_slice %arg5[%add3A_99, %dma_start3A_100, %dma_start3A_101] : memref<40x2x128xi32, #tpu.memory_space<vmem>> -> memref<1x1x128xi32, #tpu.memory_space<vmem>>
          %dma_start3A_103 = tpu.memref_squeeze %dma_start3A_102 : memref<1x1x128xi32, #tpu.memory_space<vmem>> -> memref<128xi32, #tpu.memory_space<vmem>>
          %dma_start3A_104 = arith.constant 0 : i32
          %dma_start3A_105 = arith.constant 0 : i32
          %dma_start3A_106 = tpu.memref_slice %arg2[%dma_start3A_104, %dma_start3A_105] : memref<10000x128xf32, #tpu.memory_space<hbm>> -> memref<10000x128xf32, #tpu.memory_space<hbm>>
          tpu.enqueue_indirect_dma source(%dma_start3A_106 : memref<10000x128xf32, #tpu.memory_space<hbm>>) target(%arg6 : memref<128x128xf32, #tpu.memory_space<vmem>>) offsets(%dma_start3A_103 : memref<128xi32, #tpu.memory_space<vmem>>) semaphore(%arg9 : memref<!tpu.dma_semaphore, #tpu.memory_space<semaphore_mem>>)
        } else {
        }
        %add3A_86 = arith.constant 1 : i32
        %add3A_87 = arith.addi %mul3A_66, %add3A_86 : i32
        %dma_wait3A_88 = arith.constant 0 : i32
        %dma_wait3A_89 = arith.constant 0 : i32
        %dma_wait3A_90 = tpu.memref_slice %arg5[%add3A_87, %dma_wait3A_88, %dma_wait3A_89] : memref<40x2x128xi32, #tpu.memory_space<vmem>> -> memref<1x1x128xi32, #tpu.memory_space<vmem>>
        %dma_wait3A_91 = tpu.memref_squeeze %dma_wait3A_90 : memref<1x1x128xi32, #tpu.memory_space<vmem>> -> memref<128xi32, #tpu.memory_space<vmem>>
        %dma_wait3A_92 = arith.constant 0 : i32
        %dma_wait3A_93 = arith.constant 0 : i32
        %dma_wait3A_94 = tpu.memref_slice %arg2[%dma_wait3A_92, %dma_wait3A_93] : memref<10000x128xf32, #tpu.memory_space<hbm>> -> memref<10000x128xf32, #tpu.memory_space<hbm>>
        tpu.wait_indirect_dma semaphore(%arg10 : memref<!tpu.dma_semaphore, #tpu.memory_space<semaphore_mem>>) src(%dma_wait3A_94 : memref<10000x128xf32, #tpu.memory_space<hbm>>) dst(%arg7 : memref<128x128xf32, #tpu.memory_space<vmem>>)
        %add3A_95 = arith.constant 1 : i32
        %add3A_96 = arith.addi %mul3A_66, %add3A_95 : i32
        %run_scoped3A_97 = arith.constant 1 : i32
        "tpu.region"() ({
          %run_scoped3A_98 = tpu.sem_alloc : memref<!tpu.dma_semaphore, #tpu.memory_space<semaphore_mem>>
          %dma_start3A_99 = arith.constant 0 : i32
          %dma_start3A_100 = tpu.memref_slice %arg5[%add3A_96, %run_scoped3A_97, %dma_start3A_99] : memref<40x2x128xi32, #tpu.memory_space<vmem>> -> memref<1x1x128xi32, #tpu.memory_space<vmem>>
          %dma_start3A_101 = tpu.memref_squeeze %dma_start3A_100 : memref<1x1x128xi32, #tpu.memory_space<vmem>> -> memref<128xi32, #tpu.memory_space<vmem>>
          %dma_start3A_102 = arith.constant 0 : i32
          %dma_start3A_103 = arith.constant 0 : i32
          %dma_start3A_104 = tpu.memref_slice %arg8[%dma_start3A_102, %dma_start3A_103] : memref<10240x128xf32, #tpu.memory_space<vmem_shared>> -> memref<10240x128xf32, #tpu.memory_space<vmem_shared>>
          tpu.enqueue_indirect_dma source(%arg7 : memref<128x128xf32, #tpu.memory_space<vmem>>) target(%dma_start3A_104 : memref<10240x128xf32, #tpu.memory_space<vmem_shared>>) offsets(%dma_start3A_101 : memref<128xi32, #tpu.memory_space<vmem>>) semaphore(%run_scoped3A_98 : memref<!tpu.dma_semaphore, #tpu.memory_space<semaphore_mem>>) {add = true}
          %dma_wait3A_105 = arith.constant 0 : i32
          %dma_wait3A_106 = tpu.memref_slice %arg5[%add3A_96, %run_scoped3A_97, %dma_wait3A_105] : memref<40x2x128xi32, #tpu.memory_space<vmem>> -> memref<1x1x128xi32, #tpu.memory_space<vmem>>
          %dma_wait3A_107 = tpu.memref_squeeze %dma_wait3A_106 : memref<1x1x128xi32, #tpu.memory_space<vmem>> -> memref<128xi32, #tpu.memory_space<vmem>>
          %dma_wait3A_108 = arith.constant 0 : i32
          %dma_wait3A_109 = arith.constant 0 : i32
          %dma_wait3A_110 = tpu.memref_slice %arg8[%dma_wait3A_108, %dma_wait3A_109] : memref<10240x128xf32, #tpu.memory_space<vmem_shared>> -> memref<10240x128xf32, #tpu.memory_space<vmem_shared>>
          tpu.wait_indirect_dma semaphore(%run_scoped3A_98 : memref<!tpu.dma_semaphore, #tpu.memory_space<semaphore_mem>>) src(%arg7 : memref<128x128xf32, #tpu.memory_space<vmem>>) dst(%dma_wait3A_110 : memref<10240x128xf32, #tpu.memory_space<vmem_shared>>)
          tpu.yield
        }) : () -> ()
      }
      %scan3A_63 = arith.constant 20 : i32
    }
    %barrier3A_42 = arith.constant 0 : index
    tpu.barrier barrier_id(%barrier3A_42)
    %mul3A_43 = arith.constant 640 : i32
    %mul3A_44 = arith.muli %arg1, %mul3A_43 : i32
    %mul3A_45 = arith.constant 640 : i32
    %mul3A_46 = arith.muli %arg1, %mul3A_45 : i32
    "tpu.region"() ({
      %run_scoped3A = tpu.sem_alloc : memref<!tpu.dma_semaphore, #tpu.memory_space<semaphore_mem>>
      %dma_start3A = arith.constant 0 : i32
      %dma_start3A_47 = tpu.memref_slice %arg4[%arg0, %mul3A_46, %dma_start3A] : memref<2x10240x128xf32, #tpu.memory_space<hbm>> -> memref<1x640x128xf32, #tpu.memory_space<hbm>>
      %dma_start3A_48 = tpu.memref_squeeze %dma_start3A_47 : memref<1x640x128xf32, #tpu.memory_space<hbm>> -> memref<640x128xf32, #tpu.memory_space<hbm>>
      %dma_start3A_49 = arith.constant 0 : i32
      %dma_start3A_50 = tpu.memref_slice %arg8[%mul3A_44, %dma_start3A_49] : memref<10240x128xf32, #tpu.memory_space<vmem_shared>> -> memref<640x128xf32, #tpu.memory_space<vmem_shared>>
      tpu.enqueue_dma source(%dma_start3A_50 : memref<640x128xf32, #tpu.memory_space<vmem_shared>>) target(%dma_start3A_48 : memref<640x128xf32, #tpu.memory_space<hbm>>) target_semaphore(%run_scoped3A : memref<!tpu.dma_semaphore, #tpu.memory_space<semaphore_mem>>)
      %dma_wait3A = arith.constant 0 : i32
      %dma_wait3A_51 = tpu.memref_slice %arg4[%arg0, %mul3A_46, %dma_wait3A] : memref<2x10240x128xf32, #tpu.memory_space<hbm>> -> memref<1x640x128xf32, #tpu.memory_space<hbm>>
      %dma_wait3A_52 = tpu.memref_squeeze %dma_wait3A_51 : memref<1x640x128xf32, #tpu.memory_space<hbm>> -> memref<640x128xf32, #tpu.memory_space<hbm>>
      %dma_wait3A_53 = arith.constant 0 : i32
      %dma_wait3A_54 = tpu.memref_slice %arg8[%mul3A_44, %dma_wait3A_53] : memref<10240x128xf32, #tpu.memory_space<vmem_shared>> -> memref<640x128xf32, #tpu.memory_space<vmem_shared>>
      tpu.wait_dma2 semaphore(%run_scoped3A : memref<!tpu.dma_semaphore, #tpu.memory_space<semaphore_mem>>) src(%dma_wait3A_54 : memref<640x128xf32, #tpu.memory_space<vmem_shared>>) dst(%dma_wait3A_52 : memref<640x128xf32, #tpu.memory_space<hbm>>)
      tpu.yield
    }) : () -> ()
    return
  }
}

module attributes {stable_mosaic.version = 14 : i64} {
  func.func @_fused_body(%arg0: i32, %arg1: memref<1000x128xf32, #tpu.memory_space<vmem>>, %arg2: memref<1x1000x128xf32, #tpu.memory_space<vmem>>, %arg3: memref<1x1000x128xf32, #tpu.memory_space<vmem>>, %arg4: memref<1x1x1000xi32, #tpu.memory_space<vmem>>, %arg5: memref<1x128xf32, #tpu.memory_space<vmem>>, %arg6: memref<128x128xf32, #tpu.memory_space<vmem>>, %arg7: memref<1x128xf32, #tpu.memory_space<vmem>>, %arg8: memref<1x128xf32, #tpu.memory_space<vmem>>, %arg9: memref<1x128xf32, #tpu.memory_space<vmem>>, %arg10: memref<128x128xf32, #tpu.memory_space<vmem>>, %arg11: memref<1x128xf32, #tpu.memory_space<vmem>>, %arg12: memref<1x128xf32, #tpu.memory_space<vmem>>, %arg13: memref<1x128xf32, #tpu.memory_space<vmem>>, %arg14: memref<128x128xf32, #tpu.memory_space<vmem>>, %arg15: memref<1x128xf32, #tpu.memory_space<vmem>>, %arg16: memref<1x128xf32, #tpu.memory_space<vmem>>, %arg17: memref<1x128xf32, #tpu.memory_space<vmem>>, %arg18: memref<1x128xf32, #tpu.memory_space<vmem>>, %arg19: memref<1000x128xf32, #tpu.memory_space<vmem>>, %arg20: memref<10000x128xf32, #tpu.memory_space<vmem>>, %arg21: memref<128x128xf32, #tpu.memory_space<vmem>>, %arg22: memref<128x128xf32, #tpu.memory_space<vmem>>, %arg23: memref<128x128xf32, #tpu.memory_space<vmem>>) attributes {dimension_semantics = [#tpu.dimension_semantics<arbitrary>], iteration_bounds = array<i64: 20>, scalar_prefetch = 0 : i64, scratch_operands = 4 : i64, tpu.core_type = #tpu.core_type<tc>, window_params = [{transform_indices = @transform_0, window_bounds = array<i64: 1000, 128>}, {transform_indices = @transform_1, window_bounds = array<i64: 1, 1000, 128>}, {transform_indices = @transform_2, window_bounds = array<i64: 1, 1000, 128>}, {transform_indices = @transform_3, window_bounds = array<i64: 1, 1, 1000>}, {pipeline_mode = #tpu.pipeline_mode<synchronous>, transform_indices = @transform_4, window_bounds = array<i64: 1, 128>}, {pipeline_mode = #tpu.pipeline_mode<synchronous>, transform_indices = @transform_5, window_bounds = array<i64: 128, 128>}, {pipeline_mode = #tpu.pipeline_mode<synchronous>, transform_indices = @transform_6, window_bounds = array<i64: 1, 128>}, {pipeline_mode = #tpu.pipeline_mode<synchronous>, transform_indices = @transform_7, window_bounds = array<i64: 1, 128>}, {pipeline_mode = #tpu.pipeline_mode<synchronous>, transform_indices = @transform_8, window_bounds = array<i64: 1, 128>}, {pipeline_mode = #tpu.pipeline_mode<synchronous>, transform_indices = @transform_9, window_bounds = array<i64: 128, 128>}, {pipeline_mode = #tpu.pipeline_mode<synchronous>, transform_indices = @transform_10, window_bounds = array<i64: 1, 128>}, {pipeline_mode = #tpu.pipeline_mode<synchronous>, transform_indices = @transform_11, window_bounds = array<i64: 1, 128>}, {pipeline_mode = #tpu.pipeline_mode<synchronous>, transform_indices = @transform_12, window_bounds = array<i64: 1, 128>}, {pipeline_mode = #tpu.pipeline_mode<synchronous>, transform_indices = @transform_13, window_bounds = array<i64: 128, 128>}, {pipeline_mode = #tpu.pipeline_mode<synchronous>, transform_indices = @transform_14, window_bounds = array<i64: 1, 128>}, {pipeline_mode = #tpu.pipeline_mode<synchronous>, transform_indices = @transform_15, window_bounds = array<i64: 1, 128>}, {pipeline_mode = #tpu.pipeline_mode<synchronous>, transform_indices = @transform_16, window_bounds = array<i64: 1, 128>}, {pipeline_mode = #tpu.pipeline_mode<synchronous>, transform_indices = @transform_17, window_bounds = array<i64: 1, 128>}, {transform_indices = @transform_18, window_bounds = array<i64: 1000, 128>}]} {
    %rem3A = arith.constant 10 : i32
    %rem3A_0 = arith.remsi %arg0, %rem3A : i32
    %get3A = arith.constant 0 : index
    %get3A_1 = arith.constant 0 : index
    %get3A_2 = arith.constant 0 : index
    %get3A_3 = vector.load %arg4[%get3A, %get3A_1, %get3A_2] : memref<1x1x1000xi32, #tpu.memory_space<vmem>>, vector<1x1x1000xi32>
    %get3A_4 = vector.shape_cast %get3A_3 : vector<1x1x1000xi32> to vector<1000xi32>
    %iota3A = tpu.iota {dimensions = array<i32: 1>} : vector<1000x128xi32>
    %broadcast_in_dim3A = vector.shape_cast %get3A_4 : vector<1000xi32> to vector<1000x1xi32>
    %eq3A = vector.broadcast %broadcast_in_dim3A : vector<1000x1xi32> to vector<1000x128xi32>
    %eq3A_5 = arith.cmpi eq, %eq3A, %iota3A : vector<1000x128xi32>
    %convert_element_type3A = arith.extui %eq3A_5 : vector<1000x128xi1> to vector<1000x128xi32>
    %convert_element_type3A_6 = arith.sitofp %convert_element_type3A : vector<1000x128xi32> to vector<1000x128xf32>
    %eq3A_7 = arith.constant 0 : i32
    %eq3A_8 = arith.cmpi eq, %arg0, %eq3A_7 : i32
    %convert_element_type3A_9 = arith.extui %eq3A_8 : i1 to i32
    %cond3A = arith.constant 0 : i32
    %cond3A_10 = arith.cmpi ne, %convert_element_type3A_9, %cond3A : i32
    scf.if %cond3A_10 {
      %broadcast_in_dim3A_19 = arith.constant 0.000000e+00 : f32
      %broadcast_in_dim3A_20 = vector.broadcast %broadcast_in_dim3A_19 : f32 to vector<128x128xf32>
      %swap3A = arith.constant 0 : index
      %swap3A_21 = arith.constant 0 : index
      %swap3A_22 = vector.load %arg21[%swap3A, %swap3A_21] : memref<128x128xf32, #tpu.memory_space<vmem>>, vector<128x128xf32>
      tpu.vector_store %arg21[%swap3A, %swap3A_21], %broadcast_in_dim3A_20 {strides = array<i32>} : memref<128x128xf32, #tpu.memory_space<vmem>>, vector<128x128xf32>,
      %broadcast_in_dim3A_23 = arith.constant 0.000000e+00 : f32
      %broadcast_in_dim3A_24 = vector.broadcast %broadcast_in_dim3A_23 : f32 to vector<128x128xf32>
      %swap3A_25 = arith.constant 0 : index
      %swap3A_26 = arith.constant 0 : index
      %swap3A_27 = vector.load %arg22[%swap3A_25, %swap3A_26] : memref<128x128xf32, #tpu.memory_space<vmem>>, vector<128x128xf32>
      tpu.vector_store %arg22[%swap3A_25, %swap3A_26], %broadcast_in_dim3A_24 {strides = array<i32>} : memref<128x128xf32, #tpu.memory_space<vmem>>, vector<128x128xf32>,
      %broadcast_in_dim3A_28 = arith.constant 0.000000e+00 : f32
      %broadcast_in_dim3A_29 = vector.broadcast %broadcast_in_dim3A_28 : f32 to vector<128x128xf32>
      %swap3A_30 = arith.constant 0 : index
      %swap3A_31 = arith.constant 0 : index
      %swap3A_32 = vector.load %arg23[%swap3A_30, %swap3A_31] : memref<128x128xf32, #tpu.memory_space<vmem>>, vector<128x128xf32>
      tpu.vector_store %arg23[%swap3A_30, %swap3A_31], %broadcast_in_dim3A_29 {strides = array<i32>} : memref<128x128xf32, #tpu.memory_space<vmem>>, vector<128x128xf32>,
    } else {
    }
    %lt3A = arith.constant 10 : i32
    %lt3A_11 = arith.cmpi slt, %arg0, %lt3A : i32
    %convert_element_type3A_12 = arith.extui %lt3A_11 : i1 to i32
    %cond3A_13 = arith.constant 0 : i32
    %cond3A_14 = arith.cmpi ne, %convert_element_type3A_12, %cond3A_13 : i32
    scf.if %cond3A_14 {
      %get3A_19 = arith.constant 0 : index
      %get3A_20 = arith.constant 0 : index
      %get3A_21 = vector.load %arg5[%get3A_19, %get3A_20] : memref<1x128xf32, #tpu.memory_space<vmem>>, vector<1x128xf32>
      %get3A_22 = arith.constant 0 : index
      %get3A_23 = arith.constant 0 : index
      %get3A_24 = vector.load %arg1[%get3A_22, %get3A_23] : memref<1000x128xf32, #tpu.memory_space<vmem>>, vector<1000x128xf32>
      %mul3A = vector.broadcast %get3A_21 : vector<1x128xf32> to vector<1000x128xf32>
      %mul3A_25 = arith.mulf %mul3A, %get3A_24 : vector<1000x128xf32>
      %get3A_26 = arith.constant 0 : index
      %get3A_27 = arith.constant 0 : index
      %get3A_28 = arith.constant 0 : index
      %get3A_29 = vector.load %arg2[%get3A_26, %get3A_27, %get3A_28] : memref<1x1000x128xf32, #tpu.memory_space<vmem>>, vector<1x1000x128xf32>
      %get3A_30 = vector.shape_cast %get3A_29 : vector<1x1000x128xf32> to vector<1000x128xf32>
      %add3A = arith.addf %mul3A_25, %get3A_30 : vector<1000x128xf32>
      %get3A_31 = arith.constant 0 : index
      %get3A_32 = arith.constant 0 : index
      %get3A_33 = arith.constant 0 : index
      %get3A_34 = vector.load %arg3[%get3A_31, %get3A_32, %get3A_33] : memref<1x1000x128xf32, #tpu.memory_space<vmem>>, vector<1x1000x128xf32>
      %get3A_35 = vector.shape_cast %get3A_34 : vector<1x1000x128xf32> to vector<1000x128xf32>
      %add3A_36 = arith.addf %add3A, %get3A_35 : vector<1000x128xf32>
      %get3A_37 = arith.constant 0 : index
      %get3A_38 = arith.constant 0 : index
      %get3A_39 = vector.load %arg6[%get3A_37, %get3A_38] : memref<128x128xf32, #tpu.memory_space<vmem>>, vector<128x128xf32>
      %dot_general3A = arith.constant dense<0.000000e+00> : vector<1000x128xf32>
      %dot_general3A_40 = tpu.matmul %add3A_36, %get3A_39, %dot_general3A {dimension_numbers = #tpu.dot_dimension_numbers<[1], [0], [0], [1], [0, 0, 1, 1], [], []>, transpose_lhs_hint = false} : vector<1000x128xf32>, vector<128x128xf32>, vector<1000x128xf32> -> vector<1000x128xf32>
      %get3A_41 = arith.constant 0 : index
      %get3A_42 = arith.constant 0 : index
      %get3A_43 = vector.load %arg7[%get3A_41, %get3A_42] : memref<1x128xf32, #tpu.memory_space<vmem>>, vector<1x128xf32>
      %add3A_44 = vector.broadcast %get3A_43 : vector<1x128xf32> to vector<1000x128xf32>
      %add3A_45 = arith.addf %dot_general3A_40, %add3A_44 : vector<1000x128xf32>
      %get3A_46 = arith.constant 0 : index
      %get3A_47 = arith.constant 0 : index
      %get3A_48 = vector.load %arg8[%get3A_46, %get3A_47] : memref<1x128xf32, #tpu.memory_space<vmem>>, vector<1x128xf32>
      %get3A_49 = arith.constant 0 : index
      %get3A_50 = arith.constant 0 : index
      %get3A_51 = vector.load %arg9[%get3A_49, %get3A_50] : memref<1x128xf32, #tpu.memory_space<vmem>>, vector<1x128xf32>
      %reduce_sum3A = arith.constant dense<0.000000e+00> : vector<1000xf32>
      %reduce_sum3A_52 = vector.multi_reduction <add>, %add3A_45, %reduce_sum3A [1] : vector<1000x128xf32> to vector<1000xf32>
      %broadcast_in_dim3A_53 = vector.shape_cast %reduce_sum3A_52 : vector<1000xf32> to vector<1000x1xf32>
      %div3A = arith.constant 1.280000e+02 : f32
      %div3A_54 = vector.broadcast %div3A : f32 to vector<1000x1xf32>
      %div3A_55 = arith.divf %broadcast_in_dim3A_53, %div3A_54 : vector<1000x1xf32>
      %sub3A = vector.broadcast %div3A_55 : vector<1000x1xf32> to vector<1000x128xf32>
      %sub3A_56 = arith.subf %add3A_45, %sub3A : vector<1000x128xf32>
      %mul3A_57 = arith.mulf %sub3A_56, %sub3A_56 : vector<1000x128xf32>
      %reduce_sum3A_58 = arith.constant dense<0.000000e+00> : vector<1000xf32>
      %reduce_sum3A_59 = vector.multi_reduction <add>, %mul3A_57, %reduce_sum3A_58 [1] : vector<1000x128xf32> to vector<1000xf32>
      %broadcast_in_dim3A_60 = vector.shape_cast %reduce_sum3A_59 : vector<1000xf32> to vector<1000x1xf32>
      %div3A_61 = arith.constant 1.280000e+02 : f32
      %div3A_62 = vector.broadcast %div3A_61 : f32 to vector<1000x1xf32>
      %div3A_63 = arith.divf %broadcast_in_dim3A_60, %div3A_62 : vector<1000x1xf32>
      %add3A_64 = arith.constant 9.99999974E-6 : f32
      %add3A_65 = vector.broadcast %add3A_64 : f32 to vector<1000x1xf32>
      %add3A_66 = arith.addf %div3A_63, %add3A_65 : vector<1000x1xf32>
      %rsqrt3A = math.rsqrt %add3A_66 : vector<1000x1xf32>
      %mul3A_67 = vector.broadcast %rsqrt3A : vector<1000x1xf32> to vector<1000x128xf32>
      %mul3A_68 = arith.mulf %sub3A_56, %mul3A_67 : vector<1000x128xf32>
      %mul3A_69 = vector.broadcast %get3A_48 : vector<1x128xf32> to vector<1000x128xf32>
      %mul3A_70 = arith.mulf %mul3A_68, %mul3A_69 : vector<1000x128xf32>
      %add3A_71 = vector.broadcast %get3A_51 : vector<1x128xf32> to vector<1000x128xf32>
      %add3A_72 = arith.addf %mul3A_70, %add3A_71 : vector<1000x128xf32>
      %max3A = arith.constant 0.000000e+00 : f32
      %max3A_73 = vector.broadcast %max3A : f32 to vector<1000x128xf32>
      %max3A_74 = arith.maximumf %add3A_72, %max3A_73 : vector<1000x128xf32>
      %get3A_75 = arith.constant 0 : index
      %get3A_76 = arith.constant 0 : index
      %get3A_77 = vector.load %arg10[%get3A_75, %get3A_76] : memref<128x128xf32, #tpu.memory_space<vmem>>, vector<128x128xf32>
      %dot_general3A_78 = arith.constant dense<0.000000e+00> : vector<1000x128xf32>
      %dot_general3A_79 = tpu.matmul %max3A_74, %get3A_77, %dot_general3A_78 {dimension_numbers = #tpu.dot_dimension_numbers<[1], [0], [0], [1], [0, 0, 1, 1], [], []>, transpose_lhs_hint = false} : vector<1000x128xf32>, vector<128x128xf32>, vector<1000x128xf32> -> vector<1000x128xf32>
      %get3A_80 = arith.constant 0 : index
      %get3A_81 = arith.constant 0 : index
      %get3A_82 = vector.load %arg11[%get3A_80, %get3A_81] : memref<1x128xf32, #tpu.memory_space<vmem>>, vector<1x128xf32>
      %add3A_83 = vector.broadcast %get3A_82 : vector<1x128xf32> to vector<1000x128xf32>
      %add3A_84 = arith.addf %dot_general3A_79, %add3A_83 : vector<1000x128xf32>
      %get3A_85 = arith.constant 0 : index
      %get3A_86 = arith.constant 0 : index
      %get3A_87 = vector.load %arg12[%get3A_85, %get3A_86] : memref<1x128xf32, #tpu.memory_space<vmem>>, vector<1x128xf32>
      %get3A_88 = arith.constant 0 : index
      %get3A_89 = arith.constant 0 : index
      %get3A_90 = vector.load %arg13[%get3A_88, %get3A_89] : memref<1x128xf32, #tpu.memory_space<vmem>>, vector<1x128xf32>
      %reduce_sum3A_91 = arith.constant dense<0.000000e+00> : vector<1000xf32>
      %reduce_sum3A_92 = vector.multi_reduction <add>, %add3A_84, %reduce_sum3A_91 [1] : vector<1000x128xf32> to vector<1000xf32>
      %broadcast_in_dim3A_93 = vector.shape_cast %reduce_sum3A_92 : vector<1000xf32> to vector<1000x1xf32>
      %div3A_94 = arith.constant 1.280000e+02 : f32
      %div3A_95 = vector.broadcast %div3A_94 : f32 to vector<1000x1xf32>
      %div3A_96 = arith.divf %broadcast_in_dim3A_93, %div3A_95 : vector<1000x1xf32>
      %sub3A_97 = vector.broadcast %div3A_96 : vector<1000x1xf32> to vector<1000x128xf32>
      %sub3A_98 = arith.subf %add3A_84, %sub3A_97 : vector<1000x128xf32>
      %mul3A_99 = arith.mulf %sub3A_98, %sub3A_98 : vector<1000x128xf32>
      %reduce_sum3A_100 = arith.constant dense<0.000000e+00> : vector<1000xf32>
      %reduce_sum3A_101 = vector.multi_reduction <add>, %mul3A_99, %reduce_sum3A_100 [1] : vector<1000x128xf32> to vector<1000xf32>
      %broadcast_in_dim3A_102 = vector.shape_cast %reduce_sum3A_101 : vector<1000xf32> to vector<1000x1xf32>
      %div3A_103 = arith.constant 1.280000e+02 : f32
      %div3A_104 = vector.broadcast %div3A_103 : f32 to vector<1000x1xf32>
      %div3A_105 = arith.divf %broadcast_in_dim3A_102, %div3A_104 : vector<1000x1xf32>
      %add3A_106 = arith.constant 9.99999974E-6 : f32
      %add3A_107 = vector.broadcast %add3A_106 : f32 to vector<1000x1xf32>
      %add3A_108 = arith.addf %div3A_105, %add3A_107 : vector<1000x1xf32>
      %rsqrt3A_109 = math.rsqrt %add3A_108 : vector<1000x1xf32>
      %mul3A_110 = vector.broadcast %rsqrt3A_109 : vector<1000x1xf32> to vector<1000x128xf32>
      %mul3A_111 = arith.mulf %sub3A_98, %mul3A_110 : vector<1000x128xf32>
      %mul3A_112 = vector.broadcast %get3A_87 : vector<1x128xf32> to vector<1000x128xf32>
      %mul3A_113 = arith.mulf %mul3A_111, %mul3A_112 : vector<1000x128xf32>
      %add3A_114 = vector.broadcast %get3A_90 : vector<1x128xf32> to vector<1000x128xf32>
      %add3A_115 = arith.addf %mul3A_113, %add3A_114 : vector<1000x128xf32>
      %max3A_116 = arith.constant 0.000000e+00 : f32
      %max3A_117 = vector.broadcast %max3A_116 : f32 to vector<1000x128xf32>
      %max3A_118 = arith.maximumf %add3A_115, %max3A_117 : vector<1000x128xf32>
      %get3A_119 = arith.constant 0 : index
      %get3A_120 = arith.constant 0 : index
      %get3A_121 = vector.load %arg14[%get3A_119, %get3A_120] : memref<128x128xf32, #tpu.memory_space<vmem>>, vector<128x128xf32>
      %dot_general3A_122 = arith.constant dense<0.000000e+00> : vector<1000x128xf32>
      %dot_general3A_123 = tpu.matmul %max3A_118, %get3A_121, %dot_general3A_122 {dimension_numbers = #tpu.dot_dimension_numbers<[1], [0], [0], [1], [0, 0, 1, 1], [], []>, transpose_lhs_hint = false} : vector<1000x128xf32>, vector<128x128xf32>, vector<1000x128xf32> -> vector<1000x128xf32>
      %get3A_124 = arith.constant 0 : index
      %get3A_125 = arith.constant 0 : index
      %get3A_126 = vector.load %arg15[%get3A_124, %get3A_125] : memref<1x128xf32, #tpu.memory_space<vmem>>, vector<1x128xf32>
      %add3A_127 = vector.broadcast %get3A_126 : vector<1x128xf32> to vector<1000x128xf32>
      %add3A_128 = arith.addf %dot_general3A_123, %add3A_127 : vector<1000x128xf32>
      %mul3A_129 = arith.constant 1000 : i32
      %mul3A_130 = arith.muli %rem3A_0, %mul3A_129 : i32
      %swap3A = arith.index_cast %mul3A_130 : i32 to index
      %swap3A_131 = arith.constant 0 : index
      %swap3A_132 = vector.load %arg20[%swap3A, %swap3A_131] : memref<10000x128xf32, #tpu.memory_space<vmem>>, vector<1000x128xf32>
      tpu.vector_store %arg20[%swap3A, %swap3A_131], %add3A_128 {strides = array<i32>} : memref<10000x128xf32, #tpu.memory_space<vmem>>, vector<1000x128xf32>,
      %get3A_133 = arith.constant 0 : index
      %get3A_134 = arith.constant 0 : index
      %get3A_135 = vector.load %arg21[%get3A_133, %get3A_134] : memref<128x128xf32, #tpu.memory_space<vmem>>, vector<128x128xf32>
      %dot_general3A_136 = arith.constant dense<0.000000e+00> : vector<128x128xf32>
      %dot_general3A_137 = tpu.matmul %convert_element_type3A_6, %add3A_128, %dot_general3A_136 {dimension_numbers = #tpu.dot_dimension_numbers<[0], [0], [1], [1], [0, 1, 1, 1], [], []>, transpose_lhs_hint = false} : vector<1000x128xf32>, vector<1000x128xf32>, vector<128x128xf32> -> vector<128x128xf32>
      %add3A_138 = arith.addf %get3A_135, %dot_general3A_137 : vector<128x128xf32>
      %swap3A_139 = arith.constant 0 : index
      %swap3A_140 = arith.constant 0 : index
      %swap3A_141 = vector.load %arg21[%swap3A_139, %swap3A_140] : memref<128x128xf32, #tpu.memory_space<vmem>>, vector<128x128xf32>
      tpu.vector_store %arg21[%swap3A_139, %swap3A_140], %add3A_138 {strides = array<i32>} : memref<128x128xf32, #tpu.memory_space<vmem>>, vector<128x128xf32>,
      %get3A_142 = arith.constant 0 : index
      %get3A_143 = arith.constant 0 : index
      %get3A_144 = vector.load %arg22[%get3A_142, %get3A_143] : memref<128x128xf32, #tpu.memory_space<vmem>>, vector<128x128xf32>
      %mul3A_145 = arith.mulf %add3A_128, %add3A_128 : vector<1000x128xf32>
      %dot_general3A_146 = arith.constant dense<0.000000e+00> : vector<128x128xf32>
      %dot_general3A_147 = tpu.matmul %convert_element_type3A_6, %mul3A_145, %dot_general3A_146 {dimension_numbers = #tpu.dot_dimension_numbers<[0], [0], [1], [1], [0, 1, 1, 1], [], []>, transpose_lhs_hint = false} : vector<1000x128xf32>, vector<1000x128xf32>, vector<128x128xf32> -> vector<128x128xf32>
      %add3A_148 = arith.addf %get3A_144, %dot_general3A_147 : vector<128x128xf32>
      %swap3A_149 = arith.constant 0 : index
      %swap3A_150 = arith.constant 0 : index
      %swap3A_151 = vector.load %arg22[%swap3A_149, %swap3A_150] : memref<128x128xf32, #tpu.memory_space<vmem>>, vector<128x128xf32>
      tpu.vector_store %arg22[%swap3A_149, %swap3A_150], %add3A_148 {strides = array<i32>} : memref<128x128xf32, #tpu.memory_space<vmem>>, vector<128x128xf32>,
      %get3A_152 = arith.constant 0 : index
      %get3A_153 = arith.constant 0 : index
      %get3A_154 = vector.load %arg23[%get3A_152, %get3A_153] : memref<128x128xf32, #tpu.memory_space<vmem>>, vector<128x128xf32>
      %broadcast_in_dim3A_155 = arith.constant 1.000000e+00 : f32
      %broadcast_in_dim3A_156 = vector.broadcast %broadcast_in_dim3A_155 : f32 to vector<1000x128xf32>
      %dot_general3A_157 = arith.constant dense<0.000000e+00> : vector<128x128xf32>
      %dot_general3A_158 = tpu.matmul %convert_element_type3A_6, %broadcast_in_dim3A_156, %dot_general3A_157 {dimension_numbers = #tpu.dot_dimension_numbers<[0], [0], [1], [1], [0, 1, 1, 1], [], []>, transpose_lhs_hint = false} : vector<1000x128xf32>, vector<1000x128xf32>, vector<128x128xf32> -> vector<128x128xf32>
      %add3A_159 = arith.addf %get3A_154, %dot_general3A_158 : vector<128x128xf32>
      %swap3A_160 = arith.constant 0 : index
      %swap3A_161 = arith.constant 0 : index
      %swap3A_162 = vector.load %arg23[%swap3A_160, %swap3A_161] : memref<128x128xf32, #tpu.memory_space<vmem>>, vector<128x128xf32>
      tpu.vector_store %arg23[%swap3A_160, %swap3A_161], %add3A_159 {strides = array<i32>} : memref<128x128xf32, #tpu.memory_space<vmem>>, vector<128x128xf32>,
    } else {
    }
    %ge3A = arith.constant 10 : i32
    %ge3A_15 = arith.cmpi sge, %arg0, %ge3A : i32
    %convert_element_type3A_16 = arith.extui %ge3A_15 : i1 to i32
    %cond3A_17 = arith.constant 0 : i32
    %cond3A_18 = arith.cmpi ne, %convert_element_type3A_16, %cond3A_17 : i32
    scf.if %cond3A_18 {
      %get3A_19 = arith.constant 0 : index
      %get3A_20 = arith.constant 0 : index
      %get3A_21 = vector.load %arg23[%get3A_19, %get3A_20] : memref<128x128xf32, #tpu.memory_space<vmem>>, vector<128x128xf32>
      %max3A = arith.constant 1.000000e+00 : f32
      %max3A_22 = vector.broadcast %max3A : f32 to vector<128x128xf32>
      %max3A_23 = arith.maximumf %get3A_21, %max3A_22 : vector<128x128xf32>
      %div3A = arith.constant 1.000000e+00 : f32
      %div3A_24 = vector.broadcast %div3A : f32 to vector<128x128xf32>
      %div3A_25 = arith.divf %div3A_24, %max3A_23 : vector<128x128xf32>
      %get3A_26 = arith.constant 0 : index
      %get3A_27 = arith.constant 0 : index
      %get3A_28 = vector.load %arg21[%get3A_26, %get3A_27] : memref<128x128xf32, #tpu.memory_space<vmem>>, vector<128x128xf32>
      %mul3A = arith.mulf %get3A_28, %div3A_25 : vector<128x128xf32>
      %get3A_29 = arith.constant 0 : index
      %get3A_30 = arith.constant 0 : index
      %get3A_31 = vector.load %arg22[%get3A_29, %get3A_30] : memref<128x128xf32, #tpu.memory_space<vmem>>, vector<128x128xf32>
      %mul3A_32 = arith.mulf %get3A_31, %div3A_25 : vector<128x128xf32>
      %get3A_33 = arith.constant 0 : index
      %get3A_34 = arith.constant 0 : index
      %get3A_35 = vector.load %arg18[%get3A_33, %get3A_34] : memref<1x128xf32, #tpu.memory_space<vmem>>, vector<1x128xf32>
      %mul3A_36 = vector.broadcast %get3A_35 : vector<1x128xf32> to vector<128x128xf32>
      %mul3A_37 = arith.mulf %mul3A_36, %mul3A : vector<128x128xf32>
      %mul3A_38 = arith.constant 2.000000e+00 : f32
      %mul3A_39 = vector.broadcast %mul3A_38 : f32 to vector<1x128xf32>
      %mul3A_40 = arith.mulf %mul3A_39, %get3A_35 : vector<1x128xf32>
      %mul3A_41 = arith.mulf %get3A_35, %get3A_35 : vector<1x128xf32>
      %sub3A = arith.subf %mul3A_40, %mul3A_41 : vector<1x128xf32>
      %mul3A_42 = arith.mulf %mul3A, %mul3A : vector<128x128xf32>
      %mul3A_43 = vector.broadcast %sub3A : vector<1x128xf32> to vector<128x128xf32>
      %mul3A_44 = arith.mulf %mul3A_43, %mul3A_42 : vector<128x128xf32>
      %sub3A_45 = arith.subf %mul3A_32, %mul3A_44 : vector<128x128xf32>
      %add3A = arith.constant 9.99999974E-6 : f32
      %add3A_46 = vector.broadcast %add3A : f32 to vector<128x128xf32>
      %add3A_47 = arith.addf %sub3A_45, %add3A_46 : vector<128x128xf32>
      %rsqrt3A = math.rsqrt %add3A_47 : vector<128x128xf32>
      %dot_general3A = arith.constant dense<0.000000e+00> : vector<1000x128xf32>
      %dot_general3A_48 = tpu.matmul %convert_element_type3A_6, %mul3A_37, %dot_general3A {dimension_numbers = #tpu.dot_dimension_numbers<[1], [0], [0], [1], [0, 0, 1, 1], [], []>, transpose_lhs_hint = false} : vector<1000x128xf32>, vector<128x128xf32>, vector<1000x128xf32> -> vector<1000x128xf32>
      %dot_general3A_49 = arith.constant dense<0.000000e+00> : vector<1000x128xf32>
      %dot_general3A_50 = tpu.matmul %convert_element_type3A_6, %rsqrt3A, %dot_general3A_49 {dimension_numbers = #tpu.dot_dimension_numbers<[1], [0], [0], [1], [0, 0, 1, 1], [], []>, transpose_lhs_hint = false} : vector<1000x128xf32>, vector<128x128xf32>, vector<1000x128xf32> -> vector<1000x128xf32>
      %mul3A_51 = arith.constant 1000 : i32
      %mul3A_52 = arith.muli %rem3A_0, %mul3A_51 : i32
      %get3A_53 = arith.index_cast %mul3A_52 : i32 to index
      %get3A_54 = arith.constant 0 : index
      %get3A_55 = vector.load %arg20[%get3A_53, %get3A_54] : memref<10000x128xf32, #tpu.memory_space<vmem>>, vector<1000x128xf32>
      %get3A_56 = arith.constant 0 : index
      %get3A_57 = arith.constant 0 : index
      %get3A_58 = vector.load %arg16[%get3A_56, %get3A_57] : memref<1x128xf32, #tpu.memory_space<vmem>>, vector<1x128xf32>
      %sub3A_59 = arith.subf %get3A_55, %dot_general3A_48 : vector<1000x128xf32>
      %mul3A_60 = vector.broadcast %get3A_58 : vector<1x128xf32> to vector<1000x128xf32>
      %mul3A_61 = arith.mulf %mul3A_60, %sub3A_59 : vector<1000x128xf32>
      %mul3A_62 = arith.mulf %mul3A_61, %dot_general3A_50 : vector<1000x128xf32>
      %get3A_63 = arith.constant 0 : index
      %get3A_64 = arith.constant 0 : index
      %get3A_65 = vector.load %arg17[%get3A_63, %get3A_64] : memref<1x128xf32, #tpu.memory_space<vmem>>, vector<1x128xf32>
      %add3A_66 = vector.broadcast %get3A_65 : vector<1x128xf32> to vector<1000x128xf32>
      %add3A_67 = arith.addf %mul3A_62, %add3A_66 : vector<1000x128xf32>
      %max3A_68 = arith.constant 0.000000e+00 : f32
      %max3A_69 = vector.broadcast %max3A_68 : f32 to vector<1000x128xf32>
      %max3A_70 = arith.maximumf %add3A_67, %max3A_69 : vector<1000x128xf32>
      %swap3A = arith.constant 0 : index
      %swap3A_71 = arith.constant 0 : index
      %swap3A_72 = vector.load %arg19[%swap3A, %swap3A_71] : memref<1000x128xf32, #tpu.memory_space<vmem>>, vector<1000x128xf32>
      tpu.vector_store %arg19[%swap3A, %swap3A_71], %max3A_70 {strides = array<i32>} : memref<1000x128xf32, #tpu.memory_space<vmem>>, vector<1000x128xf32>,
    } else {
    }
    return
  }
  func.func @transform_0(%arg0: i32) -> (i32, i32) {
    %min3A = arith.constant 9 : i32
    %min3A_0 = arith.minsi %arg0, %min3A : i32
    %c0_i32 = arith.constant 0 : i32
    %c0_i32_1 = arith.constant 0 : i32
    return %min3A_0, %c0_i32 : i32, i32
  }
  func.func @transform_1(%arg0: i32) -> (i32, i32, i32) {
    %min3A = arith.constant 9 : i32
    %min3A_0 = arith.minsi %arg0, %min3A : i32
    %c0_i32 = arith.constant 0 : i32
    %c0_i32_1 = arith.constant 0 : i32
    %c0_i32_2 = arith.constant 0 : i32
    return %c0_i32, %min3A_0, %c0_i32_1 : i32, i32, i32
  }
  func.func @transform_2(%arg0: i32) -> (i32, i32, i32) {
    %min3A = arith.constant 9 : i32
    %min3A_0 = arith.minsi %arg0, %min3A : i32
    %c1_i32 = arith.constant 1 : i32
    %c0_i32 = arith.constant 0 : i32
    %c0_i32_1 = arith.constant 0 : i32
    return %c1_i32, %min3A_0, %c0_i32 : i32, i32, i32
  }
  func.func @transform_3(%arg0: i32) -> (i32, i32, i32) {
    %rem3A = arith.constant 10 : i32
    %rem3A_0 = arith.remsi %arg0, %rem3A : i32
    %c0_i32 = arith.constant 0 : i32
    %c0_i32_1 = arith.constant 0 : i32
    %c0_i32_2 = arith.constant 0 : i32
    return %rem3A_0, %c0_i32, %c0_i32_1 : i32, i32, i32
  }
  func.func @transform_4(%arg0: i32) -> (i32, i32) {
    %c0_i32 = arith.constant 0 : i32
    %c0_i32_0 = arith.constant 0 : i32
    %c0_i32_1 = arith.constant 0 : i32
    return %c0_i32, %c0_i32_0 : i32, i32
  }
  func.func @transform_5(%arg0: i32) -> (i32, i32) {
    %c0_i32 = arith.constant 0 : i32
    %c0_i32_0 = arith.constant 0 : i32
    %c0_i32_1 = arith.constant 0 : i32
    return %c0_i32, %c0_i32_0 : i32, i32
  }
  func.func @transform_6(%arg0: i32) -> (i32, i32) {
    %c0_i32 = arith.constant 0 : i32
    %c0_i32_0 = arith.constant 0 : i32
    %c0_i32_1 = arith.constant 0 : i32
    return %c0_i32, %c0_i32_0 : i32, i32
  }
  func.func @transform_7(%arg0: i32) -> (i32, i32) {
    %c0_i32 = arith.constant 0 : i32
    %c0_i32_0 = arith.constant 0 : i32
    %c0_i32_1 = arith.constant 0 : i32
    return %c0_i32, %c0_i32_0 : i32, i32
  }
  func.func @transform_8(%arg0: i32) -> (i32, i32) {
    %c0_i32 = arith.constant 0 : i32
    %c0_i32_0 = arith.constant 0 : i32
    %c0_i32_1 = arith.constant 0 : i32
    return %c0_i32, %c0_i32_0 : i32, i32
  }
  func.func @transform_9(%arg0: i32) -> (i32, i32) {
    %c0_i32 = arith.constant 0 : i32
    %c0_i32_0 = arith.constant 0 : i32
    %c0_i32_1 = arith.constant 0 : i32
    return %c0_i32, %c0_i32_0 : i32, i32
  }
  func.func @transform_10(%arg0: i32) -> (i32, i32) {
    %c0_i32 = arith.constant 0 : i32
    %c0_i32_0 = arith.constant 0 : i32
    %c0_i32_1 = arith.constant 0 : i32
    return %c0_i32, %c0_i32_0 : i32, i32
  }
  func.func @transform_11(%arg0: i32) -> (i32, i32) {
    %c0_i32 = arith.constant 0 : i32
    %c0_i32_0 = arith.constant 0 : i32
    %c0_i32_1 = arith.constant 0 : i32
    return %c0_i32, %c0_i32_0 : i32, i32
  }
  func.func @transform_12(%arg0: i32) -> (i32, i32) {
    %c0_i32 = arith.constant 0 : i32
    %c0_i32_0 = arith.constant 0 : i32
    %c0_i32_1 = arith.constant 0 : i32
    return %c0_i32, %c0_i32_0 : i32, i32
  }
  func.func @transform_13(%arg0: i32) -> (i32, i32) {
    %c0_i32 = arith.constant 0 : i32
    %c0_i32_0 = arith.constant 0 : i32
    %c0_i32_1 = arith.constant 0 : i32
    return %c0_i32, %c0_i32_0 : i32, i32
  }
  func.func @transform_14(%arg0: i32) -> (i32, i32) {
    %c0_i32 = arith.constant 0 : i32
    %c0_i32_0 = arith.constant 0 : i32
    %c0_i32_1 = arith.constant 0 : i32
    return %c0_i32, %c0_i32_0 : i32, i32
  }
  func.func @transform_15(%arg0: i32) -> (i32, i32) {
    %c0_i32 = arith.constant 0 : i32
    %c0_i32_0 = arith.constant 0 : i32
    %c0_i32_1 = arith.constant 0 : i32
    return %c0_i32, %c0_i32_0 : i32, i32
  }
  func.func @transform_16(%arg0: i32) -> (i32, i32) {
    %c0_i32 = arith.constant 0 : i32
    %c0_i32_0 = arith.constant 0 : i32
    %c0_i32_1 = arith.constant 0 : i32
    return %c0_i32, %c0_i32_0 : i32, i32
  }
  func.func @transform_17(%arg0: i32) -> (i32, i32) {
    %c0_i32 = arith.constant 0 : i32
    %c0_i32_0 = arith.constant 0 : i32
    %c0_i32_1 = arith.constant 0 : i32
    return %c0_i32, %c0_i32_0 : i32, i32
  }
  func.func @transform_18(%arg0: i32) -> (i32, i32) {
    %sub3A = arith.constant 10 : i32
    %sub3A_0 = arith.subi %arg0, %sub3A : i32
    %max3A = arith.constant 0 : i32
    %max3A_1 = arith.maxsi %sub3A_0, %max3A : i32
    %c0_i32 = arith.constant 0 : i32
    %c0_i32_2 = arith.constant 0 : i32
    return %max3A_1, %c0_i32 : i32, i32
  }
}

</mosaic_0001>

<sc_bundles>
// kernel: kernel.4.cloned.1.call-start
scs
__scs_entry_jumppad:
0x0: {  	(pc) =	sbr.rel $0x88, $3  }
0x1: {  	(tag) =	ssettag $0x0;
	lr =	simm.s32 $0x1  }
0x2: {  	[smem:$0x3F90] =	sst lr;
	_ =	strace $0xD0000000  }
0x3: {  	_ = 	snop  }
0x4: {  	_ = 	snop  }
0x5: {  	_ = 	snop  }
0x6: {  	_ = 	snop  }
0x7: {  	_ = 	snop  }
__scs_overlays_trampoline_lowered:
0x8: {  	[smem:$0x3F9F] =	sst s0  }
0x9: {  	[smem:$0x3FA0] =	sst s1  }
0xa: {  	[smem:$0x3FA1] =	sst s2  }
0xb: {  	[smem:$0x3FA2] =	sst s3  }
0xc: {  	[smem:$0x3FA3] =	sst s4  }
0xd: {  	[smem:$0x3FA4] =	sst s5  }
0xe: {  	[smem:$0x3FA5] =	sst s6  }
0xf: {  	[smem:$0x3FA6] =	sst s7  }
0x10: {  	[smem:$0x3FA7] =	sst s8  }
0x11: {  	[smem:$0x3FA8] =	sst s9;
	s0 =	simm.s32 @!p0 $0x0  }
0x12: {  	s1 =	sld [smem:$0x3F8E];
	s0 =	simm.s32 @p0 $0x1  }
0x13: {  	[smem:$0x3FA9] =	sst s0;
	s0 =	simm.s32 @!p1 $0x0  }
0x14: {  	s2 =	sld [smem:$0x3F8D];
	s0 =	simm.s32 @p1 $0x1  }
0x15: {  	[smem:$0x3FAA] =	sst s0;
	s0 =	simm.s32 @!p2 $0x0  }
0x16: {  	s3 =	sld [smem:$0x3FDB];
	s0 =	simm.s32 @p2 $0x1  }
0x17: {  	s4 =	simm.s32 $0x1BF5;
	[smem:$0x3FAC] =	sst s0  }
0x18: {  	s0 =	sld [smem:$0x3F8F];
	_ =	swait.ge [sflag:s4], $0x0  }
0x19: {  	s7 =	sld [smem:$0x3F90]  }
0x1a: {  	s8 =	sadd.s32 $0xFFFFE003, lr  }
0x1b: {  	s9 =	sadd.s32 $0xFFFFFEF7, lr;
	s5 =	simm.s32 $0xFFFFFFFF;
	p2 =	slt.u32 s8, $0xFFFFF086  }
0x1c: {  	p1 =	slt.u32 s9, $0xF7A;
	s5 =	simm.s32 @!p2 $0x0  }
0x1d: {  	s5 =	simm.s32 @p1 $0x1;
	p0 =	seq.s32 s7, s2  }
0x1e: {  	s7 =	smul.u32 @!p0 $0xF7A, s2;
	p2 =	seq.s32 @!p0 s5, $0x0  }
0x1f: {  	s9 =	smul.u32 $0xF7A, s1;
	s8 =	simm.s32 @!p0 $0x1BF5;
	p2 =	por !p2, p0  }
0x20: {  	[sflag:s8] =	ssyncset.s32 @!p0 $0xFFFFF086;
	s6 =	sadd.s32 @!p0 s3, s7;
	s7 =	simm.s32 @!p0 $0x108  }
0x21: {  	s3 =	sadd.s32 s3, s9;
	s6 =	sadd.s32 @!p0 $0x88, s6;
	s7 =	simm.s32 @p2 $0x1082  }
0x22: {  	[simem:s7], [sflag:s8] =	dma.local @!p0 [hbm:s6], $0xF7A  }
0x23: {  	s9 =	sor.u32 $0xD0000000, s2;
	s6 =	simm.s32 $0x108;
	_ =	swait.ge @!p0 [sflag:s8], $0x0  }
0x24: {  	s3 =	sadd.s32 $0x88, s3;
	s6 =	simm.s32 @!p1 $0x1082;
	[sflag:s4] =	ssyncset.s32 $0xFFFFF086  }
0x25: {  	[simem:s6], [sflag:s4] =	dma.local [hbm:s3], $0xF7A  }
0x26: {  	[smem:$0x3F90] =	sst s1;
	(tag) =	ssettag s2;
	_ =	strace s9  }
0x27: {  	s1 =	sld [smem:$0x3FA0]  }
0x28: {  	s2 =	sld [smem:$0x3FA1]  }
0x29: {  	s4 =	sld [smem:$0x3FA3]  }
0x2a: {  	p0 =	seq.s32 s5, $0x0;
	s5 =	sld [smem:$0x3FA4]  }
0x2b: {  	s6 =	sld [smem:$0x3FA5]  }
0x2c: {  	s7 =	sld [smem:$0x3FA6]  }
0x2d: {  	s3 =	simm.s32 $0x108;
	s8 =	sld [smem:$0x3FA7]  }
0x2e: {  	s3 =	simm.s32 @!p0 $0x1082;
	s9 =	sld [smem:$0x3FA8]  }
0x2f: {  	lr =	sadd.s32 s0, s3;
	s0 =	sld [smem:$0x3F9F]  }
0x30: {  	s3 =	sld [smem:$0x3FA2]  }
0x31: {  	[smem:$0x3FAB] =	sst s10  }
0x32: {  	s10 =	sld [smem:$0x3FA9];
	_ =	sdelay $0x3  }
0x33: {  	p0 =	seq.s32 s10, $0x1;
	s10 =	sld [smem:$0x3FAB];
	_ =	sdelay $0x3  }
0x34: {  	[smem:$0x3FAB] =	sst s10  }
0x35: {  	s10 =	sld [smem:$0x3FAA];
	_ =	sdelay $0x3  }
0x36: {  	p1 =	seq.s32 s10, $0x1;
	s10 =	sld [smem:$0x3FAB];
	_ =	sdelay $0x3  }
0x37: {  	[smem:$0x3FAB] =	sst s10  }
0x38: {  	s10 =	sld [smem:$0x3FAC]  }
0x39: {  	_ = 	snop;
	(pc) =	sbr.ind lr, $3  }
0x3a: {  	_ = 	snop  }
0x3b: {  	_ = 	snop  }
0x3c: {  	p2 =	seq.s32 s10, $0x1;
	s10 =	sld [smem:$0x3FAB]  }
0x3d: {  	_ =	shalt  }
0x3e: {  	_ =	shalt  }
0x3f: {  	_ =	shalt  }
0x40: {  	_ =	shalt  }
0x41: {  	_ =	shalt  }
0x42: {  	_ =	shalt  }
0x43: {  	_ =	shalt  }
0x44: {  	_ =	shalt  }
0x45: {  	_ =	shalt  }
0x46: {  	_ =	shalt  }
0x47: {  	_ =	shalt  }
0x48: {  	_ =	shalt  }
0x49: {  	_ =	shalt  }
0x4a: {  	_ =	shalt  }
0x4b: {  	_ =	shalt  }
0x4c: {  	_ =	shalt  }
0x4d: {  	_ =	shalt  }
0x4e: {  	_ =	shalt  }
0x4f: {  	_ =	shalt  }
0x50: {  	_ =	shalt  }
0x51: {  	_ =	shalt  }
0x52: {  	_ =	shalt  }
0x53: {  	_ =	shalt  }
0x54: {  	_ =	shalt  }
0x55: {  	_ =	shalt  }
0x56: {  	_ =	shalt  }
0x57: {  	_ =	shalt  }
0x58: {  	_ =	shalt  }
0x59: {  	_ =	shalt  }
0x5a: {  	_ =	shalt  }
0x5b: {  	_ =	shalt  }
0x5c: {  	_ =	shalt  }
0x5d: {  	_ =	shalt  }
0x5e: {  	_ =	shalt  }
0x5f: {  	_ =	shalt  }
0x60: {  	_ =	shalt  }
0x61: {  	_ =	shalt  }
0x62: {  	_ =	shalt  }
0x63: {  	_ =	shalt  }
0x64: {  	_ =	shalt  }
0x65: {  	_ =	shalt  }
0x66: {  	_ =	shalt  }
0x67: {  	_ =	shalt  }
0x68: {  	_ =	shalt  }
0x69: {  	_ =	shalt  }
0x6a: {  	_ =	shalt  }
0x6b: {  	_ =	shalt  }
0x6c: {  	_ =	shalt  }
0x6d: {  	_ =	shalt  }
0x6e: {  	_ =	shalt  }
0x6f: {  	_ =	shalt  }
0x70: {  	_ =	shalt  }
0x71: {  	_ =	shalt  }
0x72: {  	_ =	shalt  }
0x73: {  	_ =	shalt  }
0x74: {  	_ =	shalt  }
0x75: {  	_ =	shalt  }
0x76: {  	_ =	shalt  }
0x77: {  	_ =	shalt  }
0x78: {  	_ =	shalt  }
0x79: {  	_ =	shalt  }
0x7a: {  	_ =	shalt  }
0x7b: {  	_ =	shalt  }
0x7c: {  	_ =	shalt  }
0x7d: {  	_ =	shalt  }
0x7e: {  	_ =	shalt  }
0x7f: {  	_ =	shalt  }
0x80: {  	_ =	shalt  }
0x81: {  	_ =	shalt  }
0x82: {  	_ =	shalt  }
0x83: {  	_ =	shalt  }
0x84: {  	_ =	shalt  }
0x85: {  	_ =	shalt  }
0x86: {  	_ =	shalt  }
0x87: {  	_ =	shalt  }
.Lfunc_end0:
.L_simem_size_0:
called_computation_lowered:
.L_overlay_start_0:
0x88: {  	s2 =	sld [smem:$0x3FD9]  }
0x89: {  	s3 =	sld [smem:$0x3FFE];
	_ =	sdelay $0x1  }
0x8a: {  	s1 =	srdreg.scid  }
0x8b: {  	s0 =	sand.u32 $0x1, s1  }
0x8c: {  	s17 =	sshll.u32 s0, $0xA;
	s2 =	sadd.s32 s3, s2  }
0x8d: {  	s2 =	sadd.s32 s2, s17  }
0x8e: {  	[smem:$0x3FB7] =	sst s2  }
0x8f: {  	_ = 	snop  }
0x90: {  	s2 =	sld [smem:$0x3FC9]  }
0x91: {  	s18 =	sld [smem:$0x3FD0];
	(tm) =	ssettm $0x1  }
0x92: {  	s4 =	sld [smem:$0x3FFB];
	_ =	sdelay $0x3  }
0x93: {  	_ =	strace s4  }
0x94: {  	s4 =	sld [smem:$0x3FFC];
	_ =	sdelay $0x3  }
0x95: {  	_ =	strace s4  }
0x96: {  	s4 =	sld [smem:$0x3FFD];
	_ =	sdelay $0x3  }
0x97: {  	_ =	strace s4  }
0x98: {  	_ =	strace $0x8FFFFFFF  }
0x99: {  	s19 =	sld [smem:$0x3FDB];
	_ =	sdelay $0x1  }
0x9a: {  	s5 =	simm.s32 $_scs_section_size  }
0x9b: {  	s6 =	simm.s32 $_size__tile_overlayer_lowered;
	s7 =	simm.s32 $_tile_overlayer_lowered  }
0x9c: {  	s22 =	simm.s32 $0x1BFF;
	s21 =	sshll.u32 s7, $0x1;
	s4 =	sadd.s32 s5, s19  }
0x9d: {  	s8 =	simm.s32 $0x0;
	s20 =	sshll.u32 s6, $0x1;
	s6 =	sadd.s32 s21, s4  }
0x9e: {  	[timem:s8], [sflag:s22] =	dma.local [hbm:s6], s20  }
0x9f: {  	_ =	swait.ge [sflag:s22], s20  }
0xa0: {  	s5 =	ssub.s32 $0x0, s20;
	[sflag:s22] =	ssyncset.done $0x0  }
0xa1: {  	[sflag:s22] =	ssyncadd.s32 s5;
	_ =	sdelay $0x1  }
0xa2: {  	s23 =	simm.s32 $0x1B8B  }
0xa3: {  	_ =	swait.ge [sflag:s23], $0x1  }
0xa4: {  	[sflag:s23] =	ssyncset.done $0x0  }
0xa5: {  	s25 =	simm.s32 $0x1B8E;
	s24 =	sld [smem:$0x3FFE];
	[sflag:s23] =	ssyncadd.s32 $0xFFFFFFFF  }
0xa6: {  	s26 =	simm.s32 $execute0_lowered;
	[smem:$0x3FD2] =	sst s25  }
0xa7: {  	s6 =	sshll.u32 s26, $0x1;
	_ =	strace $0x80000046;
	[dreg:$0x1] =	wrdreg $0xFFFFFFFF  }
0xa8: {  	s28 =	simm.s32 $_size_execute0_lowered;
	s4 =	sadd.s32 s4, s6;
	[dreg:$0x0] =	wrdreg $0x0  }
0xa9: {  	s6 =	sshll.u32 s28, $0x1;
	[dreg:$0x2] =	wrdreg s4  }
0xaa: {  	[dreg:$0x3] =	wrdreg s6  }
0xab: {  	[dreg:$0x4] =	wrdreg $0xC0  }
0xac: {  	_ =	task [dreg:s8], $0x5FFFF  }
0xad: {  	[dreg:$0x1] =	wrdreg $0xFFFFFFFF  }
0xae: {  	[dreg:$0x0] =	wrdreg $0x60  }
0xaf: {  	[dreg:$0x2] =	wrdreg s2  }
0xb0: {  	[dreg:$0x3] =	wrdreg s18  }
0xb1: {  	[dreg:$0x4] =	wrdreg s24  }
0xb2: {  	[dreg:$0x5] =	wrdreg $0xA8000  }
0xb3: {  	[dreg:$0x6] =	wrdreg $0x9  }
0xb4: {  	_ =	task.clear_ibuf [dreg:s8], $0x7FFFF;
	_ =	strace $0x90000046  }
0xb5: {  	s29 =	simm.s32 $0x9;
	_ =	strace $0x80000048  }
0xb6: {  	_ =	swait.ge [sflag:s29], $0x1  }
0xb7: {  	[sflag:s29] =	ssyncadd.s32 $0xFFFFFFFF  }
0xb8: {  	_ =	strace $0x90000048  }
0xb9: {  	_ =	sfence  }
0xba: {  	s30 =	sld [smem:$0x0];
	_ =	sdelay $0x2  }
0xbb: {  	s31 =	sshll.u32 s1, $0xD;
	s1 =	sshrl.u32 s1, $0x2  }
0xbc: {  	s3 =	sand.u32 $0x4000, s31;
	s1 =	sadd.s32 s1, s30  }
0xbd: {  	s0 =	sor.u32 s3, s0;
	s1 =	sshll.u32 s1, $0x11  }
0xbe: {  	s0 =	sor.u32 s1, s0  }
0xbf: {  	s0 =	sadd.s32 $0x8F2B, s0  }
0xc0: {  	[sflag:s0] =	ssyncadd.remote.s32 $0x1  }
0xc1: {  	_ =	sfence.sel $0xFFFF  }
0xc2: {  	[dreg:$0x0] =	wrdreg $0xFFFFFFFF;
	(pc) =	sbr.abs _section_cstart, $3  }
0xc3: {  	[dreg:$0x1] =	wrdreg $0xFFFFFFFF  }
0xc4: {  	_ =	task.clear_ibuf [dreg:s8], $0x2FFFF;
	_ =	strace $0x9FFFFFFF  }
0xc5: {  	(tm) =	ssettm $0x7FFFFFFF  }
tec
execute0_lowered:
.L_overlay_start_1:
0x0: {  	(tag) =	ssettag $0x1  }
0x1: {  	s1 =	rddreg [dreg:$0x0]  }
0x2: {  	s2 =	rddreg [dreg:$0x1]  }
0x3: {  	s7 =	rddreg [dreg:$0x2]  }
0x4: {  	s4 =	rddreg [dreg:$0x3]  }
0x5: {  	s0 =	srdreg.scid;
	s3 =	rddreg [dreg:$0x4]  }
0x6: {  	s5 =	simm.s32 $0x0;
	s15 =	simm.s32 $0x3;
	s16 =	simm.s32 $0x80  }
0x7: {  	s17 =	simm.s32 $0x6800;
	s18 =	simm.s32 $0x1;
	s20 =	sand.u32 $0x1, s0  }
0x8: {  	s19 =	simm.s32 $0x2;
	s0 =	stileid.u32;
	s6 =	smul.u32 $0x140000, s20  }
0x9: {  	s21 =	simm.s32 $0x2680;
	s22 =	simm.s32 $0x2780;
	s8 =	smul.u32 $0x14000, s0  }
0xa: {  	s24 =	simm.s32 $0x0;
	[smem:$0x7FF] =	sst s5;
	s29 =	smul.u32 $0x50000, s0  }
0xb: {  	_ =	strace $0x80000047;
	s30 =	ssub.s32 $0x2, s20;
	s9 =	ssub.s32 $0x0, s20  }
0xc: {  	s11 =	smul.u32 $0xA0, s0;
	p0 =	sne.s32 s20, $0x0;
	s20 =	simm.s32 $0x2700  }
0xd: {  	s23 =	sshll.u32 s0, $0x6;
	s31 =	sshrl.u32 s30, $0x1;
	s14 =	sand.u32 $0x78, s9  }
0xe: {  	s23 =	sor.u32 $0x1C03, s23;
	s6 =	sadd.s32 s8, s6;
	s8 =	sshrl.u32 s29, $0x2  }
0xf: {  	s13 =	ssub.s32 s30, s31;
	s11 =	sadd.s32 s11, s14;
	s6 =	sshrl.u32 s6, $0x3  }
0x10: {  	s14 =	simm.s32 $0x2800;
	s12 =	sadd.s32 s6, s7;
	s6 =	sadd.s32 s8, s4  }
0x11: {  	s13 =	smax.u32 s13, $0x1;
	s7 =	sadd.s32 $0x4000, s6;
	s8 =	sadd.s32 $0x8000, s6  }
0x12: {  	v0 =	vimm.f32 $0.0e+00;
	s9 =	sadd.s32 $0xC000, s6;
	s10 =	sadd.s32 $0x10000, s6;
	s12 =	sadd.s32 $0x2200, s12  }
.LBB2_1:
0x13: {  	s25 =	simm.s32 $0x0;
	s26 =	simm.s32 $0x200  }
.LBB2_2:
0x14: {  	p1 =	sne.s32 s26, $0xFE00;
	[tilespmem:s25+$0x2870] =	vst v0  }
0x15: {  	[tilespmem:s25+$0x2800] =	vst v0  }
0x16: {  	[tilespmem:s25+$0x2810] =	vst v0  }
.Ltmp0:
0x17: {  	[tilespmem:s25+$0x2820] =	vst v0;
	(pc) =	sbr.rel @p1 .LBB2_2-.Ltmp0, $4  }
0x18: {  	[tilespmem:s25+$0x2830] =	vst v0  }
0x19: {  	[tilespmem:s25+$0x2840] =	vst v0  }
0x1a: {  	[tilespmem:s25+$0x2850] =	vst v0  }
0x1b: {  	[tilespmem:s25+$0x2860] =	vst v0;
	s25 =	sshra.s32 s26, $0x2;
	s26 =	sadd.s32 $0x200, s26  }
0x1c: {  	[tilespmem:s25+$0x2870] =	vst v0  }
0x1d: {  	[tilespmem:s25+$0x2800] =	vst v0  }
0x1e: {  	[tilespmem:s25+$0x2810] =	vst v0  }
0x1f: {  	[tilespmem:s25+$0x2820] =	vst v0  }
0x20: {  	[tilespmem:s25+$0x2830] =	vst v0  }
0x21: {  	[tilespmem:s25+$0x2840] =	vst v0  }
0x22: {  	[tilespmem:s25+$0x2850] =	vst v0  }
0x23: {  	[tilespmem:s25+$0x2860] =	vst v0  }
0x24: {  	[spmem:s6] =	stream.linear.scatter [tilespmem:s14], [sflag:$0x3], $0x4000, $0x38;
	[tilespmem:$0x1E800] =	vst v63  }
0x25: {  	_ =	swait.ge [sflag:s15], $0x4000  }
0x26: {  	[sflag:s15] =	ssyncset.done $0x0  }
0x27: {  	[sflag:s15] =	ssyncadd.s32 $0xFFFFC000  }
0x28: {  	[spmem:s7] =	stream.linear.scatter [tilespmem:s14], [sflag:$0x3], $0x4000, $0x38;
	[tilespmem:$0x1E800] =	vst v63  }
0x29: {  	_ =	swait.ge [sflag:s15], $0x4000  }
0x2a: {  	[sflag:s15] =	ssyncset.done $0x0  }
0x2b: {  	[sflag:s15] =	ssyncadd.s32 $0xFFFFC000  }
0x2c: {  	[spmem:s8] =	stream.linear.scatter [tilespmem:s14], [sflag:$0x3], $0x4000, $0x38;
	[tilespmem:$0x1E800] =	vst v63  }
0x2d: {  	_ =	swait.ge [sflag:s15], $0x4000  }
0x2e: {  	[sflag:s15] =	ssyncset.done $0x0  }
0x2f: {  	[sflag:s15] =	ssyncadd.s32 $0xFFFFC000  }
0x30: {  	[spmem:s9] =	stream.linear.scatter [tilespmem:s14], [sflag:$0x3], $0x4000, $0x38;
	[tilespmem:$0x1E800] =	vst v63  }
0x31: {  	_ =	swait.ge [sflag:s15], $0x4000  }
0x32: {  	[sflag:s15] =	ssyncset.done $0x0  }
0x33: {  	[sflag:s15] =	ssyncadd.s32 $0xFFFFC000  }
0x34: {  	[spmem:s10] =	stream.linear.scatter [tilespmem:s14], [sflag:$0x3], $0x4000, $0x38;
	[tilespmem:$0x1E800] =	vst v63  }
0x35: {  	_ =	swait.ge [sflag:s15], $0x4000  }
0x36: {  	[sflag:s15] =	ssyncset.done $0x0  }
0x37: {  	[sflag:s15] =	ssyncadd.s32 $0xFFFFC000  }
0x38: {  	s25 =	simm.s32 $0x0;
	[bflag:$0x0] =	sbarrier.arrive $0xFFFF  }
.LBB2_4:
0x39: {  	s26 =	smul.u32 $0x28, s25;
	_ =	sdelay $0x1  }
0x3a: {  	s26 =	sadd.s32 s26, s11  }
0x3b: {  	s26 =	sshll.u32 s26, $0x5  }
0x3c: {  	s26 =	sadd.s32 s2, s26  }
0x3d: {  	[tilespmem:s5], [sflag:$0x3] =	stream.linear.gather [hbm4b:s26+s5], $0x2800, $0x38;
	[tilespmem:$0x1E800] =	vst v63  }
0x3e: {  	_ =	swait.ge [sflag:s15], $0x2800  }
0x3f: {  	[sflag:s15] =	ssyncset.done $0x0  }
0x40: {  	[sflag:s15] =	ssyncadd.s32 $0xFFFFD800  }
0x41: {  	[tilespmem:s14], [sflag:$0x1] =	stream.indirect.gather [hbm4b:s1+s16], $0x80, s5, s16, $0xb8;
	[tilespmem:$0x1E800] =	vst v63  }
0x42: {  	s31 =	simm.s32 $0x100  }
0x43: {  	[tilespmem:s17], [sflag:$0x2] =	stream.indirect.gather [hbm4b:s1+s16], $0x80, s31, s16, $0xb8;
	[tilespmem:$0x1E800] =	vst v63  }
0x44: {  	_ =	swait.ge [sflag:s18], $0x4000  }
0x45: {  	[sflag:s18] =	ssyncset.done $0x0  }
0x46: {  	s29 =	simm.s32 $0x80;
	[sflag:s18] =	ssyncadd.s32 $0xFFFFC000  }
0x47: {  	[spmem:s4] =	stream.indirect.scatter.add.f32 [tilespmem:s14], [sflag:$0x3], $0x80, s29, s16, $0xb8;
	[tilespmem:$0x1E800] =	vst v63  }
0x48: {  	_ =	swait.ge [sflag:s15], $0x4000  }
0x49: {  	[sflag:s15] =	ssyncset.done $0x0  }
0x4a: {  	s30 =	simm.s32 $0x200;
	[sflag:s15] =	ssyncadd.s32 $0xFFFFC000  }
0x4b: {  	[tilespmem:s14], [sflag:$0x1] =	stream.indirect.gather [hbm4b:s1+s16], $0x80, s30, s16, $0xb8;
	[tilespmem:$0x1E800] =	vst v63  }
0x4c: {  	_ =	swait.ge [sflag:s19], $0x4000  }
0x4d: {  	[sflag:s19] =	ssyncset.done $0x0  }
0x4e: {  	s31 =	simm.s32 $0x180;
	[sflag:s19] =	ssyncadd.s32 $0xFFFFC000  }
0x4f: {  	[spmem:s4] =	stream.indirect.scatter.add.f32 [tilespmem:s17], [sflag:$0x3], $0x80, s31, s16, $0xb8;
	[tilespmem:$0x1E800] =	vst v63  }
0x50: {  	_ =	swait.ge [sflag:s15], $0x4000  }
0x51: {  	s28 =	simm.s32 $0xFFFF7800;
	s26 =	simm.s32 $0xFFFFDC00;
	[sflag:s15] =	ssyncset.done $0x0  }
.LBB2_5:
0x52: {  	s29 =	sadd.s32 $0x2700, s26  }
0x53: {  	[sflag:s15] =	ssyncadd.s32 $0xFFFFC000;
	s30 =	smov.u32 s28;
	s31 =	sadd.s32 $0x800, s28  }
0x54: {  	[tilespmem:s17], [sflag:$0x2] =	stream.indirect.gather [hbm4b:s1+s16], $0x80, s29, s16, $0xb8;
	[tilespmem:$0x1E800] =	vst v63  }
0x55: {  	p1 =	sne.s32 s28, $0xFFFFF800;
	_ =	swait.ge [sflag:s18], $0x4000  }
0x56: {  	[sflag:s18] =	ssyncset.done $0x0  }
0x57: {  	s28 =	sadd.s32 $0x2680, s26;
	[sflag:s18] =	ssyncadd.s32 $0xFFFFC000  }
0x58: {  	[spmem:s4] =	stream.indirect.scatter.add.f32 [tilespmem:s14], [sflag:$0x3], $0x80, s28, s16, $0xb8;
	[tilespmem:$0x1E800] =	vst v63  }
0x59: {  	_ =	swait.ge [sflag:s15], $0x4000  }
0x5a: {  	[sflag:s15] =	ssyncset.done $0x0  }
0x5b: {  	s28 =	sadd.s32 $0x2800, s26;
	[sflag:s15] =	ssyncadd.s32 $0xFFFFC000  }
0x5c: {  	[tilespmem:s14], [sflag:$0x1] =	stream.indirect.gather [hbm4b:s1+s16], $0x80, s28, s16, $0xb8;
	[tilespmem:$0x1E800] =	vst v63  }
0x5d: {  	_ =	swait.ge [sflag:s19], $0x4000  }
.Ltmp1:
0x5e: {  	[sflag:s19] =	ssyncset.done $0x0;
	(pc) =	sbr.rel @p1 .LBB2_5-.Ltmp1, $4  }
0x5f: {  	s26 =	sadd.s32 $0x2780, s26;
	[sflag:s19] =	ssyncadd.s32 $0xFFFFC000  }
0x60: {  	[spmem:s4] =	stream.indirect.scatter.add.f32 [tilespmem:s17], [sflag:$0x3], $0x80, s26, s16, $0xb8;
	[tilespmem:$0x1E800] =	vst v63  }
0x61: {  	_ =	swait.ge [sflag:s15], $0x4000  }
0x62: {  	s28 =	smov.u32 s31;
	s26 =	sshra.s32 s30, $0x2;
	[sflag:s15] =	ssyncset.done $0x0  }
0x63: {  	s28 =	sadd.s32 $0x2700, s26;
	[sflag:s15] =	ssyncadd.s32 $0xFFFFC000  }
0x64: {  	[tilespmem:s17], [sflag:$0x2] =	stream.indirect.gather [hbm4b:s1+s16], $0x80, s28, s16, $0xb8;
	[tilespmem:$0x1E800] =	vst v63  }
0x65: {  	_ =	swait.ge [sflag:s18], $0x4000  }
0x66: {  	[sflag:s18] =	ssyncset.done $0x0  }
0x67: {  	s29 =	sadd.s32 $0x2680, s26;
	[sflag:s18] =	ssyncadd.s32 $0xFFFFC000  }
0x68: {  	[spmem:s4] =	stream.indirect.scatter.add.f32 [tilespmem:s14], [sflag:$0x3], $0x80, s29, s16, $0xb8;
	[tilespmem:$0x1E800] =	vst v63  }
0x69: {  	_ =	swait.ge [sflag:s15], $0x4000  }
0x6a: {  	[sflag:s15] =	ssyncset.done $0x0  }
0x6b: {  	s30 =	sadd.s32 $0x2800, s26;
	[sflag:s15] =	ssyncadd.s32 $0xFFFFC000  }
0x6c: {  	[tilespmem:s14], [sflag:$0x1] =	stream.indirect.gather [hbm4b:s1+s16], $0x80, s30, s16, $0xb8;
	[tilespmem:$0x1E800] =	vst v63  }
0x6d: {  	_ =	swait.ge [sflag:s19], $0x4000  }
0x6e: {  	[sflag:s19] =	ssyncset.done $0x0  }
0x6f: {  	s31 =	sadd.s32 $0x2780, s26;
	[sflag:s19] =	ssyncadd.s32 $0xFFFFC000  }
0x70: {  	[spmem:s4] =	stream.indirect.scatter.add.f32 [tilespmem:s17], [sflag:$0x3], $0x80, s31, s16, $0xb8;
	[tilespmem:$0x1E800] =	vst v63  }
0x71: {  	_ =	swait.ge [sflag:s15], $0x4000  }
0x72: {  	[sflag:s15] =	ssyncset.done $0x0  }
0x73: {  	[sflag:s15] =	ssyncadd.s32 $0xFFFFC000  }
0x74: {  	[tilespmem:s17], [sflag:$0x2] =	stream.indirect.gather [hbm4b:s1+s16], $0x80, s20, s16, $0xb8;
	[tilespmem:$0x1E800] =	vst v63  }
0x75: {  	_ =	swait.ge [sflag:s18], $0x4000  }
0x76: {  	[sflag:s18] =	ssyncset.done $0x0  }
0x77: {  	[sflag:s18] =	ssyncadd.s32 $0xFFFFC000  }
0x78: {  	[spmem:s4] =	stream.indirect.scatter.add.f32 [tilespmem:s14], [sflag:$0x3], $0x80, s21, s16, $0xb8;
	[tilespmem:$0x1E800] =	vst v63  }
0x79: {  	_ =	swait.ge [sflag:s15], $0x4000  }
0x7a: {  	[sflag:s15] =	ssyncset.done $0x0  }
0x7b: {  	[sflag:s15] =	ssyncadd.s32 $0xFFFFC000  }
0x7c: {  	p1 =	slt.u32 @!p0 s25, $0x2;
	_ =	swait.ge [sflag:s19], $0x4000  }
0x7d: {  	p1 =	por p0, !p1;
	[sflag:s19] =	ssyncset.done $0x0  }
.Ltmp2:
0x7e: {  	[sflag:s19] =	ssyncadd.s32 $0xFFFFC000;
	(pc) =	sbr.rel @!p1 .LBB2_4-.Ltmp2, $4  }
0x7f: {  	[spmem:s4] =	stream.indirect.scatter.add.f32 [tilespmem:s17], [sflag:$0x3], $0x80, s22, s16, $0xb8;
	[tilespmem:$0x1E800] =	vst v63  }
0x80: {  	_ =	swait.ge [sflag:s15], $0x4000  }
0x81: {  	[sflag:s15] =	ssyncset.done $0x0  }
0x82: {  	s25 =	sadd.s32 $0x1, s25;
	[sflag:s15] =	ssyncadd.s32 $0xFFFFC000  }
0x83: {  	s24 =	sadd.s32 $0x1, s24  }
0x84: {  	p1 =	sne.s32 s24, s13  }
.Ltmp3:
0x85: {  	[bflag:$0x0] =	sbarrier.arrive $0xFFFF;
	s25 =	sshrl.u32 s6, $0x3;
	(pc) =	sbr.rel @p1 .LBB2_1-.Ltmp3, $4  }
0x86: {  	[hbm:s12], [sflag:s23] =	dma.local [spmem:s25], $0x2800  }
0x87: {  	_ =	swait.ge [sflag:s15], $0x2800  }
0x88: {  	[sflag:s15] =	ssyncset.done $0x0  }
0x89: {  	[sflag:s15] =	ssyncadd.s32 $0xFFFFD800  }
0x8a: {  	_ =	sfence.sel $0x180000  }
0x8b: {  	[bflag:$0x0] =	sbarrier.arrive $0xFFFF  }
0x8c: {  	p0 =	sne.s32 s0, $0x0;
	_ =	strace $0x90000047  }
0x8d: {  	s0 =	sadd.s32 @!p0 $0x100000, s3;
	[bflag:$0x2] =	sbarrier.arrive $0xFFFF  }
0x8e: {  	[sflag:s0] =	ssyncadd.tile.s32 @!p0 $0x1;
	_ =	shalt  }
.Lfunc_end2:
_tile_overlayer_lowered:
.L_overlay_start_2:
0x8f: {  	(tag) =	ssettag $0x2  }
0x90: {  	s0 =	rddreg [dreg:$0x0];
	s2 =	stileid.u32  }
0x91: {  	s1 =	rddreg [dreg:$0x1];
	p0 =	sne.s32 s2, $0x0  }
0x92: {  	s3 =	rddreg [dreg:$0x2];
	[bflag:$0x3] =	sbarrier.arrive $0xFFFF;
	s2 =	simm.s32 @!p0 $0x1C03  }
0x93: {  	[timem:s3], [sflag:s2] =	dma.local @!p0 [hbm:s0], s1  }
0x94: {  	s0 =	simm.s32 @!p0 $0x3  }
0x95: {  	_ =	swait.ge @!p0 [sflag:s0], s1  }
0x96: {  	s1 =	ssub.s32 @!p0 $0x0, s1;
	[sflag:s0] =	ssyncset.done @!p0 $0x0  }
0x97: {  	[sflag:s0] =	ssyncadd.s32 @!p0 s1  }
0x98: {  	[bflag:$0x3] =	sbarrier.arrive $0xFFFF  }
0x99: {  	_ =	shalt  }

</sc_bundles>
